<compile_context>
chip_gen: v7x
topology: tpu7x:2x2x1
jax: 0.10.2.dev20260603
libtpu: 0.0.44.dev20260713+nightly
codegen_flags: <defaults>
</compile_context>

<pallas_src>
import functools

import jax
import jax.numpy as jnp
from jax import lax
from jax.experimental import pallas as pl
from jax.experimental.pallas import tpu as pltpu
from jax.experimental.pallas import tpu_sc as plsc

EMB_DIM = 64
N_IDS = 4096 * 200
NUM_WORKERS = 32
ROWS_PER_W = N_IDS // NUM_WORKERS
CHUNK = 320
N_CHUNKS = ROWS_PER_W // CHUNK
NBUF = 5
LAG = 3
N_GROUPS = N_CHUNKS // NBUF

_mesh = plsc.VectorSubcoreMesh(core_axis_name="c", subcore_axis_name="s")


@functools.partial(
    pl.kernel,
    mesh=_mesh,
    compiler_params=pltpu.CompilerParams(use_tc_tiling_on_sc=False),
    out_type=jax.ShapeDtypeStruct((N_IDS, 2 * EMB_DIM), jnp.float32),
    scratch_types=[
        pltpu.VMEM((ROWS_PER_W,), jnp.int32),
        pltpu.VMEM((NBUF, CHUNK, EMB_DIM), jnp.float32),
    ] + [pltpu.SemaphoreType.DMA] * (2 * NBUF),
)
def _gather_kernel(ids_hbm, table_hbm, out_hbm, idx_all, rows, *sems):
    gsem = sems[:NBUF]
    ssem = sems[NBUF:]
    wid = lax.axis_index("s") * 2 + lax.axis_index("c")
    base = wid * ROWS_PER_W

    def gather_copy(c, b):
        return pltpu.make_async_copy(
            table_hbm.at[idx_all.at[pl.ds(pl.multiple_of(c * CHUNK, CHUNK), CHUNK)]],
            rows.at[b],
            gsem[b],
        )

    def scatter_copy(c, b):
        return pltpu.make_async_copy(
            rows.at[b],
            out_hbm.at[pl.ds(pl.multiple_of(base + c * CHUNK, CHUNK), CHUNK),
                       pl.ds(0, EMB_DIM)],
            ssem[b],
        )

    pltpu.sync_copy(ids_hbm.at[pl.ds(pl.multiple_of(base, ROWS_PER_W), ROWS_PER_W)],
                    idx_all)

    for b in range(LAG):
        gather_copy(b, b).start()

    def group(g, carry):
        for b in range(NBUF):
            v = g * NBUF + b
            bp = (b - LAG) % NBUF

            @pl.when(g > 0)
            def _wait_buf():
                scatter_copy(v - NBUF, b).wait()

            def _issue_gather():
                gather_copy(v, b).start()

            def _retire():
                p = v - LAG
                gather_copy(p, bp).wait()
                scatter_copy(p, bp).start()

            if b >= LAG:
                _issue_gather()
                _retire()
            else:
                pl.when(g > 0)(_issue_gather)
                pl.when(g > 0)(_retire)
        return carry

    lax.fori_loop(0, N_GROUPS, group, 0)

    for k in range(LAG):
        p = N_CHUNKS - LAG + k
        bp = p % NBUF
        gather_copy(p, bp).wait()
        scatter_copy(p, bp).start()
    for b in range(NBUF):
        p = N_CHUNKS - NBUF + b
        scatter_copy(p, b).wait()


def kernel(input_ids, weight):
    ids_flat = input_ids.reshape(-1).astype(jnp.int32)
    out = _gather_kernel(ids_flat, weight)
    return out.reshape(4096, 200, 2 * EMB_DIM)[:, :, :EMB_DIM]

# --- scband reference (transcript-rebuilt; emitter-appended) ---
"""Pipeline reference for scband-parallel-embedding-78323023610041 (READ-ONLY COPY).

The authoritative reference and input builder live on the scoring server;
editing this copy changes nothing except your own understanding.
"""

import jax, jax.numpy as jnp
import numpy as np

NUM_EMBEDDINGS = 1000000
EMBEDDING_DIM = 64
WORLD_SIZE = 1
RANK = 0
NUM_EMB_PER_RANK = NUM_EMBEDDINGS // WORLD_SIZE
VOCAB_START = RANK * NUM_EMB_PER_RANK
VOCAB_END = VOCAB_START + NUM_EMB_PER_RANK


def setup_inputs(seed: int = 0) -> dict:
    key = jax.random.key(seed)
    k_ids, k_w = jax.random.split(key)
    input_ids = jax.random.randint(k_ids, (4096, 200), 0, NUM_EMBEDDINGS, dtype=jnp.int64 if jax.config.read('jax_enable_x64') else jnp.int32)
    weight = jax.random.normal(k_w, (NUM_EMB_PER_RANK, EMBEDDING_DIM), dtype=jnp.float32)
    return {"input_ids": input_ids, "weight": weight}


def reference(input_ids, weight):
    # Faithful translation of ParallelEmbedding.forward (world_size=1, so no all-reduce).
    mask = (input_ids >= VOCAB_START) & (input_ids < VOCAB_END)
    local_ids = input_ids - VOCAB_START
    local_ids = jnp.clip(local_ids, 0, NUM_EMB_PER_RANK - 1)
    embeddings = jnp.take(weight, local_ids, axis=0)
    embeddings = embeddings * mask[..., None].astype(jnp.float32)
    return embeddings

if __name__ == "__main__":
    import jax
    _d = setup_inputs()
    print(jax.jit(kernel)(*tuple(_d.values())))

</pallas_src>

<mosaic_0001>
#map = affine_map<(d0, d1) -> (0)>
#map1 = affine_map<(d0, d1) -> (0, 0)>
module attributes {stable_mosaic.version = 14 : i64} {
  func.func @_gather_kernel(%arg0: i32, %arg1: i32, %arg2: memref<819200xi32, #tpu.memory_space<hbm>>, %arg3: memref<1000000x64xf32, #tpu.memory_space<hbm>>, %arg4: memref<819200x128xf32, #tpu.memory_space<hbm>>, %arg5: memref<25600xi32, #tpu.memory_space<vmem>>, %arg6: memref<5x320x64xf32, #tpu.memory_space<vmem>>, %arg7: memref<!tpu.dma_semaphore, #tpu.memory_space<semaphore_mem>>, %arg8: memref<!tpu.dma_semaphore, #tpu.memory_space<semaphore_mem>>, %arg9: memref<!tpu.dma_semaphore, #tpu.memory_space<semaphore_mem>>, %arg10: memref<!tpu.dma_semaphore, #tpu.memory_space<semaphore_mem>>, %arg11: memref<!tpu.dma_semaphore, #tpu.memory_space<semaphore_mem>>, %arg12: memref<!tpu.dma_semaphore, #tpu.memory_space<semaphore_mem>>, %arg13: memref<!tpu.dma_semaphore, #tpu.memory_space<semaphore_mem>>, %arg14: memref<!tpu.dma_semaphore, #tpu.memory_space<semaphore_mem>>, %arg15: memref<!tpu.dma_semaphore, #tpu.memory_space<semaphore_mem>>, %arg16: memref<!tpu.dma_semaphore, #tpu.memory_space<semaphore_mem>>) attributes {dimension_semantics = [#tpu.dimension_semantics<core_parallel>, #tpu.dimension_semantics<subcore_parallel>], iteration_bounds = array<i64: 2, 16>, scalar_prefetch = 0 : i64, scratch_operands = 12 : i64, tpu.core_type = #tpu.core_type<sc_vector_subcore>, window_params = [{transform_indices = #map}, {transform_indices = #map1}, {transform_indices = #map1}]} {
    %mul3A = arith.constant 2 : i32
    %mul3A_0 = arith.muli %arg1, %mul3A : i32
    %add3A = arith.addi %mul3A_0, %arg0 : i32
    %mul3A_1 = arith.constant 25600 : i32
    %mul3A_2 = arith.muli %add3A, %mul3A_1 : i32
    %multiple_of3A = tpu.assume_multiple %mul3A_2, 25600 : i32
    "tpu.region"() ({
      %run_scoped3A = tpu.sem_alloc : memref<!tpu.dma_semaphore, #tpu.memory_space<semaphore_mem>>
      %dma_start3A_200 = tpu.memref_slice %arg2[%multiple_of3A] : memref<819200xi32, #tpu.memory_space<hbm>> -> memref<25600xi32, #tpu.memory_space<hbm>>
      %dma_start3A_201 = tpu.memref_slice %arg2[%multiple_of3A] : memref<819200xi32, #tpu.memory_space<hbm>> -> memref<25600xi32, #tpu.memory_space<hbm>>
      tpu.enqueue_dma source(%dma_start3A_201 : memref<25600xi32, #tpu.memory_space<hbm>>) target(%arg5 : memref<25600xi32, #tpu.memory_space<vmem>>) target_semaphore(%run_scoped3A : memref<!tpu.dma_semaphore, #tpu.memory_space<semaphore_mem>>)
      %dma_wait3A_202 = tpu.memref_slice %arg2[%multiple_of3A] : memref<819200xi32, #tpu.memory_space<hbm>> -> memref<25600xi32, #tpu.memory_space<hbm>>
      %dma_wait3A_203 = tpu.memref_slice %arg2[%multiple_of3A] : memref<819200xi32, #tpu.memory_space<hbm>> -> memref<25600xi32, #tpu.memory_space<hbm>>
      tpu.wait_dma2 semaphore(%run_scoped3A : memref<!tpu.dma_semaphore, #tpu.memory_space<semaphore_mem>>) src(%dma_wait3A_203 : memref<25600xi32, #tpu.memory_space<hbm>>) dst(%arg5 : memref<25600xi32, #tpu.memory_space<vmem>>)
      tpu.yield
    }) : () -> ()
    %multiple_of3A_3 = arith.constant 0 : i32
    %multiple_of3A_4 = tpu.assume_multiple %multiple_of3A_3, 320 : i32
    %dma_start3A = arith.constant 0 : i32
    %dma_start3A_5 = arith.constant 0 : i32
    %dma_start3A_6 = arith.constant 0 : i32
    %dma_start3A_7 = tpu.memref_slice %arg6[%dma_start3A, %dma_start3A_5, %dma_start3A_6] : memref<5x320x64xf32, #tpu.memory_space<vmem>> -> memref<1x320x64xf32, #tpu.memory_space<vmem>>
    %dma_start3A_8 = tpu.memref_squeeze %dma_start3A_7 : memref<1x320x64xf32, #tpu.memory_space<vmem>> -> memref<320x64xf32, #tpu.memory_space<vmem>>
    %dma_start3A_9 = tpu.memref_slice %arg5[%multiple_of3A_4] : memref<25600xi32, #tpu.memory_space<vmem>> -> memref<320xi32, #tpu.memory_space<vmem>>
    %dma_start3A_10 = arith.constant 0 : i32
    %dma_start3A_11 = arith.constant 0 : i32
    %dma_start3A_12 = tpu.memref_slice %arg3[%dma_start3A_10, %dma_start3A_11] : memref<1000000x64xf32, #tpu.memory_space<hbm>> -> memref<1000000x64xf32, #tpu.memory_space<hbm>>
    tpu.enqueue_indirect_dma source(%dma_start3A_12 : memref<1000000x64xf32, #tpu.memory_space<hbm>>) target(%dma_start3A_8 : memref<320x64xf32, #tpu.memory_space<vmem>>) offsets(%dma_start3A_9 : memref<320xi32, #tpu.memory_space<vmem>>) semaphore(%arg7 : memref<!tpu.dma_semaphore, #tpu.memory_space<semaphore_mem>>)
    %multiple_of3A_13 = arith.constant 320 : i32
    %multiple_of3A_14 = tpu.assume_multiple %multiple_of3A_13, 320 : i32
    %dma_start3A_15 = arith.constant 1 : i32
    %dma_start3A_16 = arith.constant 0 : i32
    %dma_start3A_17 = arith.constant 0 : i32
    %dma_start3A_18 = tpu.memref_slice %arg6[%dma_start3A_15, %dma_start3A_16, %dma_start3A_17] : memref<5x320x64xf32, #tpu.memory_space<vmem>> -> memref<1x320x64xf32, #tpu.memory_space<vmem>>
    %dma_start3A_19 = tpu.memref_squeeze %dma_start3A_18 : memref<1x320x64xf32, #tpu.memory_space<vmem>> -> memref<320x64xf32, #tpu.memory_space<vmem>>
    %dma_start3A_20 = tpu.memref_slice %arg5[%multiple_of3A_14] : memref<25600xi32, #tpu.memory_space<vmem>> -> memref<320xi32, #tpu.memory_space<vmem>>
    %dma_start3A_21 = arith.constant 0 : i32
    %dma_start3A_22 = arith.constant 0 : i32
    %dma_start3A_23 = tpu.memref_slice %arg3[%dma_start3A_21, %dma_start3A_22] : memref<1000000x64xf32, #tpu.memory_space<hbm>> -> memref<1000000x64xf32, #tpu.memory_space<hbm>>
    tpu.enqueue_indirect_dma source(%dma_start3A_23 : memref<1000000x64xf32, #tpu.memory_space<hbm>>) target(%dma_start3A_19 : memref<320x64xf32, #tpu.memory_space<vmem>>) offsets(%dma_start3A_20 : memref<320xi32, #tpu.memory_space<vmem>>) semaphore(%arg8 : memref<!tpu.dma_semaphore, #tpu.memory_space<semaphore_mem>>)
    %multiple_of3A_24 = arith.constant 640 : i32
    %multiple_of3A_25 = tpu.assume_multiple %multiple_of3A_24, 320 : i32
    %dma_start3A_26 = arith.constant 2 : i32
    %dma_start3A_27 = arith.constant 0 : i32
    %dma_start3A_28 = arith.constant 0 : i32
    %dma_start3A_29 = tpu.memref_slice %arg6[%dma_start3A_26, %dma_start3A_27, %dma_start3A_28] : memref<5x320x64xf32, #tpu.memory_space<vmem>> -> memref<1x320x64xf32, #tpu.memory_space<vmem>>
    %dma_start3A_30 = tpu.memref_squeeze %dma_start3A_29 : memref<1x320x64xf32, #tpu.memory_space<vmem>> -> memref<320x64xf32, #tpu.memory_space<vmem>>
    %dma_start3A_31 = tpu.memref_slice %arg5[%multiple_of3A_25] : memref<25600xi32, #tpu.memory_space<vmem>> -> memref<320xi32, #tpu.memory_space<vmem>>
    %dma_start3A_32 = arith.constant 0 : i32
    %dma_start3A_33 = arith.constant 0 : i32
    %dma_start3A_34 = tpu.memref_slice %arg3[%dma_start3A_32, %dma_start3A_33] : memref<1000000x64xf32, #tpu.memory_space<hbm>> -> memref<1000000x64xf32, #tpu.memory_space<hbm>>
    tpu.enqueue_indirect_dma source(%dma_start3A_34 : memref<1000000x64xf32, #tpu.memory_space<hbm>>) target(%dma_start3A_30 : memref<320x64xf32, #tpu.memory_space<vmem>>) offsets(%dma_start3A_31 : memref<320xi32, #tpu.memory_space<vmem>>) semaphore(%arg9 : memref<!tpu.dma_semaphore, #tpu.memory_space<semaphore_mem>>)
    %scan3A = arith.constant 0 : i32
    %scan3A_35 = arith.constant 0 : i32
    %scan3A_36 = arith.constant 16 : i32
    %scan3A_37 = arith.addi %scan3A_35, %scan3A_36 : i32
    %scan3A_38 = arith.constant 1 : i32
    scf.for %scan3A_200 = %scan3A_35 to %scan3A_37 step %scan3A_38  : i32 {
      %mul3A_201 = arith.constant 5 : i32
      %mul3A_202 = arith.muli %scan3A_200, %mul3A_201 : i32
      %add3A_203 = arith.constant 0 : i32
      %add3A_204 = arith.addi %mul3A_202, %add3A_203 : i32
      %gt3A = arith.constant 0 : i32
      %gt3A_205 = arith.cmpi sgt, %scan3A_200, %gt3A : i32
      %convert_element_type3A = arith.extui %gt3A_205 : i1 to i32
      %cond3A = arith.constant 0 : i32
      %cond3A_206 = arith.cmpi ne, %convert_element_type3A, %cond3A : i32
      scf.if %cond3A_206 {
        %sub3A_358 = arith.constant 5 : i32
        %sub3A_359 = arith.subi %add3A_204, %sub3A_358 : i32
        %mul3A_360 = arith.constant 320 : i32
        %mul3A_361 = arith.muli %sub3A_359, %mul3A_360 : i32
        %add3A_362 = arith.addi %mul3A_2, %mul3A_361 : i32
        %multiple_of3A_363 = tpu.assume_multiple %add3A_362, 320 : i32
        %dma_wait3A_364 = arith.constant 0 : i32
        %dma_wait3A_365 = arith.constant 0 : i32
        %dma_wait3A_366 = arith.constant 0 : i32
        %dma_wait3A_367 = tpu.memref_slice %arg6[%dma_wait3A_364, %dma_wait3A_365, %dma_wait3A_366] : memref<5x320x64xf32, #tpu.memory_space<vmem>> -> memref<1x320x64xf32, #tpu.memory_space<vmem>>
        %dma_wait3A_368 = tpu.memref_squeeze %dma_wait3A_367 : memref<1x320x64xf32, #tpu.memory_space<vmem>> -> memref<320x64xf32, #tpu.memory_space<vmem>>
        %dma_wait3A_369 = arith.constant 0 : i32
        %dma_wait3A_370 = tpu.memref_slice %arg4[%multiple_of3A_363, %dma_wait3A_369] : memref<819200x128xf32, #tpu.memory_space<hbm>> -> memref<320x64xf32, #tpu.memory_space<hbm>>
        %dma_wait3A_371 = arith.constant 0 : i32
        %dma_wait3A_372 = tpu.memref_slice %arg4[%multiple_of3A_363, %dma_wait3A_371] : memref<819200x128xf32, #tpu.memory_space<hbm>> -> memref<320x64xf32, #tpu.memory_space<hbm>>
        %dma_wait3A_373 = arith.constant 0 : i32
        %dma_wait3A_374 = arith.constant 0 : i32
        %dma_wait3A_375 = tpu.memref_slice %arg6[%dma_wait3A_364, %dma_wait3A_373, %dma_wait3A_374] : memref<5x320x64xf32, #tpu.memory_space<vmem>> -> memref<1x320x64xf32, #tpu.memory_space<vmem>>
        %dma_wait3A_376 = tpu.memref_squeeze %dma_wait3A_375 : memref<1x320x64xf32, #tpu.memory_space<vmem>> -> memref<320x64xf32, #tpu.memory_space<vmem>>
        tpu.wait_dma2 semaphore(%arg12 : memref<!tpu.dma_semaphore, #tpu.memory_space<semaphore_mem>>) src(%dma_wait3A_376 : memref<320x64xf32, #tpu.memory_space<vmem>>) dst(%dma_wait3A_372 : memref<320x64xf32, #tpu.memory_space<hbm>>)
      } else {
      }
      %gt3A_207 = arith.constant 0 : i32
      %gt3A_208 = arith.cmpi sgt, %scan3A_200, %gt3A_207 : i32
      %convert_element_type3A_209 = arith.extui %gt3A_208 : i1 to i32
      %cond3A_210 = arith.constant 0 : i32
      %cond3A_211 = arith.cmpi ne, %convert_element_type3A_209, %cond3A_210 : i32
      scf.if %cond3A_211 {
        %mul3A_358 = arith.constant 320 : i32
        %mul3A_359 = arith.muli %add3A_204, %mul3A_358 : i32
        %multiple_of3A_360 = tpu.assume_multiple %mul3A_359, 320 : i32
        %dma_start3A_361 = arith.constant 0 : i32
        %dma_start3A_362 = arith.constant 0 : i32
        %dma_start3A_363 = arith.constant 0 : i32
        %dma_start3A_364 = tpu.memref_slice %arg6[%dma_start3A_361, %dma_start3A_362, %dma_start3A_363] : memref<5x320x64xf32, #tpu.memory_space<vmem>> -> memref<1x320x64xf32, #tpu.memory_space<vmem>>
        %dma_start3A_365 = tpu.memref_squeeze %dma_start3A_364 : memref<1x320x64xf32, #tpu.memory_space<vmem>> -> memref<320x64xf32, #tpu.memory_space<vmem>>
        %dma_start3A_366 = tpu.memref_slice %arg5[%multiple_of3A_360] : memref<25600xi32, #tpu.memory_space<vmem>> -> memref<320xi32, #tpu.memory_space<vmem>>
        %dma_start3A_367 = arith.constant 0 : i32
        %dma_start3A_368 = arith.constant 0 : i32
        %dma_start3A_369 = tpu.memref_slice %arg3[%dma_start3A_367, %dma_start3A_368] : memref<1000000x64xf32, #tpu.memory_space<hbm>> -> memref<1000000x64xf32, #tpu.memory_space<hbm>>
        tpu.enqueue_indirect_dma source(%dma_start3A_369 : memref<1000000x64xf32, #tpu.memory_space<hbm>>) target(%dma_start3A_365 : memref<320x64xf32, #tpu.memory_space<vmem>>) offsets(%dma_start3A_366 : memref<320xi32, #tpu.memory_space<vmem>>) semaphore(%arg7 : memref<!tpu.dma_semaphore, #tpu.memory_space<semaphore_mem>>)
      } else {
      }
      %gt3A_212 = arith.constant 0 : i32
      %gt3A_213 = arith.cmpi sgt, %scan3A_200, %gt3A_212 : i32
      %convert_element_type3A_214 = arith.extui %gt3A_213 : i1 to i32
      %cond3A_215 = arith.constant 0 : i32
      %cond3A_216 = arith.cmpi ne, %convert_element_type3A_214, %cond3A_215 : i32
      scf.if %cond3A_216 {
        %sub3A_358 = arith.constant 3 : i32
        %sub3A_359 = arith.subi %add3A_204, %sub3A_358 : i32
        %mul3A_360 = arith.constant 320 : i32
        %mul3A_361 = arith.muli %sub3A_359, %mul3A_360 : i32
        %multiple_of3A_362 = tpu.assume_multiple %mul3A_361, 320 : i32
        %dma_wait3A_363 = arith.constant 2 : i32
        %dma_wait3A_364 = arith.constant 0 : i32
        %dma_wait3A_365 = arith.constant 0 : i32
        %dma_wait3A_366 = tpu.memref_slice %arg6[%dma_wait3A_363, %dma_wait3A_364, %dma_wait3A_365] : memref<5x320x64xf32, #tpu.memory_space<vmem>> -> memref<1x320x64xf32, #tpu.memory_space<vmem>>
        %dma_wait3A_367 = tpu.memref_squeeze %dma_wait3A_366 : memref<1x320x64xf32, #tpu.memory_space<vmem>> -> memref<320x64xf32, #tpu.memory_space<vmem>>
        %dma_wait3A_368 = tpu.memref_slice %arg5[%multiple_of3A_362] : memref<25600xi32, #tpu.memory_space<vmem>> -> memref<320xi32, #tpu.memory_space<vmem>>
        %dma_wait3A_369 = arith.constant 0 : i32
        %dma_wait3A_370 = arith.constant 0 : i32
        %dma_wait3A_371 = tpu.memref_slice %arg3[%dma_wait3A_369, %dma_wait3A_370] : memref<1000000x64xf32, #tpu.memory_space<hbm>> -> memref<1000000x64xf32, #tpu.memory_space<hbm>>
        tpu.wait_indirect_dma semaphore(%arg9 : memref<!tpu.dma_semaphore, #tpu.memory_space<semaphore_mem>>) src(%dma_wait3A_371 : memref<1000000x64xf32, #tpu.memory_space<hbm>>) dst(%dma_wait3A_367 : memref<320x64xf32, #tpu.memory_space<vmem>>)
        %mul3A_372 = arith.constant 320 : i32
        %mul3A_373 = arith.muli %sub3A_359, %mul3A_372 : i32
        %add3A_374 = arith.addi %mul3A_2, %mul3A_373 : i32
        %multiple_of3A_375 = tpu.assume_multiple %add3A_374, 320 : i32
        %dma_start3A_376 = arith.constant 2 : i32
        %dma_start3A_377 = arith.constant 0 : i32
        %dma_start3A_378 = arith.constant 0 : i32
        %dma_start3A_379 = tpu.memref_slice %arg6[%dma_start3A_376, %dma_start3A_377, %dma_start3A_378] : memref<5x320x64xf32, #tpu.memory_space<vmem>> -> memref<1x320x64xf32, #tpu.memory_space<vmem>>
        %dma_start3A_380 = tpu.memref_squeeze %dma_start3A_379 : memref<1x320x64xf32, #tpu.memory_space<vmem>> -> memref<320x64xf32, #tpu.memory_space<vmem>>
        %dma_start3A_381 = arith.constant 0 : i32
        %dma_start3A_382 = tpu.memref_slice %arg4[%multiple_of3A_375, %dma_start3A_381] : memref<819200x128xf32, #tpu.memory_space<hbm>> -> memref<320x64xf32, #tpu.memory_space<hbm>>
        %dma_start3A_383 = arith.constant 0 : i32
        %dma_start3A_384 = tpu.memref_slice %arg4[%multiple_of3A_375, %dma_start3A_383] : memref<819200x128xf32, #tpu.memory_space<hbm>> -> memref<320x64xf32, #tpu.memory_space<hbm>>
        %dma_start3A_385 = arith.constant 0 : i32
        %dma_start3A_386 = arith.constant 0 : i32
        %dma_start3A_387 = tpu.memref_slice %arg6[%dma_start3A_376, %dma_start3A_385, %dma_start3A_386] : memref<5x320x64xf32, #tpu.memory_space<vmem>> -> memref<1x320x64xf32, #tpu.memory_space<vmem>>
        %dma_start3A_388 = tpu.memref_squeeze %dma_start3A_387 : memref<1x320x64xf32, #tpu.memory_space<vmem>> -> memref<320x64xf32, #tpu.memory_space<vmem>>
        tpu.enqueue_dma source(%dma_start3A_388 : memref<320x64xf32, #tpu.memory_space<vmem>>) target(%dma_start3A_384 : memref<320x64xf32, #tpu.memory_space<hbm>>) target_semaphore(%arg14 : memref<!tpu.dma_semaphore, #tpu.memory_space<semaphore_mem>>)
      } else {
      }
      %mul3A_217 = arith.constant 5 : i32
      %mul3A_218 = arith.muli %scan3A_200, %mul3A_217 : i32
      %add3A_219 = arith.constant 1 : i32
      %add3A_220 = arith.addi %mul3A_218, %add3A_219 : i32
      %gt3A_221 = arith.constant 0 : i32
      %gt3A_222 = arith.cmpi sgt, %scan3A_200, %gt3A_221 : i32
      %convert_element_type3A_223 = arith.extui %gt3A_222 : i1 to i32
      %cond3A_224 = arith.constant 0 : i32
      %cond3A_225 = arith.cmpi ne, %convert_element_type3A_223, %cond3A_224 : i32
      scf.if %cond3A_225 {
        %sub3A_358 = arith.constant 5 : i32
        %sub3A_359 = arith.subi %add3A_220, %sub3A_358 : i32
        %mul3A_360 = arith.constant 320 : i32
        %mul3A_361 = arith.muli %sub3A_359, %mul3A_360 : i32
        %add3A_362 = arith.addi %mul3A_2, %mul3A_361 : i32
        %multiple_of3A_363 = tpu.assume_multiple %add3A_362, 320 : i32
        %dma_wait3A_364 = arith.constant 1 : i32
        %dma_wait3A_365 = arith.constant 0 : i32
        %dma_wait3A_366 = arith.constant 0 : i32
        %dma_wait3A_367 = tpu.memref_slice %arg6[%dma_wait3A_364, %dma_wait3A_365, %dma_wait3A_366] : memref<5x320x64xf32, #tpu.memory_space<vmem>> -> memref<1x320x64xf32, #tpu.memory_space<vmem>>
        %dma_wait3A_368 = tpu.memref_squeeze %dma_wait3A_367 : memref<1x320x64xf32, #tpu.memory_space<vmem>> -> memref<320x64xf32, #tpu.memory_space<vmem>>
        %dma_wait3A_369 = arith.constant 0 : i32
        %dma_wait3A_370 = tpu.memref_slice %arg4[%multiple_of3A_363, %dma_wait3A_369] : memref<819200x128xf32, #tpu.memory_space<hbm>> -> memref<320x64xf32, #tpu.memory_space<hbm>>
        %dma_wait3A_371 = arith.constant 0 : i32
        %dma_wait3A_372 = tpu.memref_slice %arg4[%multiple_of3A_363, %dma_wait3A_371] : memref<819200x128xf32, #tpu.memory_space<hbm>> -> memref<320x64xf32, #tpu.memory_space<hbm>>
        %dma_wait3A_373 = arith.constant 0 : i32
        %dma_wait3A_374 = arith.constant 0 : i32
        %dma_wait3A_375 = tpu.memref_slice %arg6[%dma_wait3A_364, %dma_wait3A_373, %dma_wait3A_374] : memref<5x320x64xf32, #tpu.memory_space<vmem>> -> memref<1x320x64xf32, #tpu.memory_space<vmem>>
        %dma_wait3A_376 = tpu.memref_squeeze %dma_wait3A_375 : memref<1x320x64xf32, #tpu.memory_space<vmem>> -> memref<320x64xf32, #tpu.memory_space<vmem>>
        tpu.wait_dma2 semaphore(%arg13 : memref<!tpu.dma_semaphore, #tpu.memory_space<semaphore_mem>>) src(%dma_wait3A_376 : memref<320x64xf32, #tpu.memory_space<vmem>>) dst(%dma_wait3A_372 : memref<320x64xf32, #tpu.memory_space<hbm>>)
      } else {
      }
      %gt3A_226 = arith.constant 0 : i32
      %gt3A_227 = arith.cmpi sgt, %scan3A_200, %gt3A_226 : i32
      %convert_element_type3A_228 = arith.extui %gt3A_227 : i1 to i32
      %cond3A_229 = arith.constant 0 : i32
      %cond3A_230 = arith.cmpi ne, %convert_element_type3A_228, %cond3A_229 : i32
      scf.if %cond3A_230 {
        %mul3A_358 = arith.constant 320 : i32
        %mul3A_359 = arith.muli %add3A_220, %mul3A_358 : i32
        %multiple_of3A_360 = tpu.assume_multiple %mul3A_359, 320 : i32
        %dma_start3A_361 = arith.constant 1 : i32
        %dma_start3A_362 = arith.constant 0 : i32
        %dma_start3A_363 = arith.constant 0 : i32
        %dma_start3A_364 = tpu.memref_slice %arg6[%dma_start3A_361, %dma_start3A_362, %dma_start3A_363] : memref<5x320x64xf32, #tpu.memory_space<vmem>> -> memref<1x320x64xf32, #tpu.memory_space<vmem>>
        %dma_start3A_365 = tpu.memref_squeeze %dma_start3A_364 : memref<1x320x64xf32, #tpu.memory_space<vmem>> -> memref<320x64xf32, #tpu.memory_space<vmem>>
        %dma_start3A_366 = tpu.memref_slice %arg5[%multiple_of3A_360] : memref<25600xi32, #tpu.memory_space<vmem>> -> memref<320xi32, #tpu.memory_space<vmem>>
        %dma_start3A_367 = arith.constant 0 : i32
        %dma_start3A_368 = arith.constant 0 : i32
        %dma_start3A_369 = tpu.memref_slice %arg3[%dma_start3A_367, %dma_start3A_368] : memref<1000000x64xf32, #tpu.memory_space<hbm>> -> memref<1000000x64xf32, #tpu.memory_space<hbm>>
        tpu.enqueue_indirect_dma source(%dma_start3A_369 : memref<1000000x64xf32, #tpu.memory_space<hbm>>) target(%dma_start3A_365 : memref<320x64xf32, #tpu.memory_space<vmem>>) offsets(%dma_start3A_366 : memref<320xi32, #tpu.memory_space<vmem>>) semaphore(%arg8 : memref<!tpu.dma_semaphore, #tpu.memory_space<semaphore_mem>>)
      } else {
      }
      %gt3A_231 = arith.constant 0 : i32
      %gt3A_232 = arith.cmpi sgt, %scan3A_200, %gt3A_231 : i32
      %convert_element_type3A_233 = arith.extui %gt3A_232 : i1 to i32
      %cond3A_234 = arith.constant 0 : i32
      %cond3A_235 = arith.cmpi ne, %convert_element_type3A_233, %cond3A_234 : i32
      scf.if %cond3A_235 {
        %sub3A_358 = arith.constant 3 : i32
        %sub3A_359 = arith.subi %add3A_220, %sub3A_358 : i32
        %mul3A_360 = arith.constant 320 : i32
        %mul3A_361 = arith.muli %sub3A_359, %mul3A_360 : i32
        %multiple_of3A_362 = tpu.assume_multiple %mul3A_361, 320 : i32
        %dma_wait3A_363 = arith.constant 3 : i32
        %dma_wait3A_364 = arith.constant 0 : i32
        %dma_wait3A_365 = arith.constant 0 : i32
        %dma_wait3A_366 = tpu.memref_slice %arg6[%dma_wait3A_363, %dma_wait3A_364, %dma_wait3A_365] : memref<5x320x64xf32, #tpu.memory_space<vmem>> -> memref<1x320x64xf32, #tpu.memory_space<vmem>>
        %dma_wait3A_367 = tpu.memref_squeeze %dma_wait3A_366 : memref<1x320x64xf32, #tpu.memory_space<vmem>> -> memref<320x64xf32, #tpu.memory_space<vmem>>
        %dma_wait3A_368 = tpu.memref_slice %arg5[%multiple_of3A_362] : memref<25600xi32, #tpu.memory_space<vmem>> -> memref<320xi32, #tpu.memory_space<vmem>>
        %dma_wait3A_369 = arith.constant 0 : i32
        %dma_wait3A_370 = arith.constant 0 : i32
        %dma_wait3A_371 = tpu.memref_slice %arg3[%dma_wait3A_369, %dma_wait3A_370] : memref<1000000x64xf32, #tpu.memory_space<hbm>> -> memref<1000000x64xf32, #tpu.memory_space<hbm>>
        tpu.wait_indirect_dma semaphore(%arg10 : memref<!tpu.dma_semaphore, #tpu.memory_space<semaphore_mem>>) src(%dma_wait3A_371 : memref<1000000x64xf32, #tpu.memory_space<hbm>>) dst(%dma_wait3A_367 : memref<320x64xf32, #tpu.memory_space<vmem>>)
        %mul3A_372 = arith.constant 320 : i32
        %mul3A_373 = arith.muli %sub3A_359, %mul3A_372 : i32
        %add3A_374 = arith.addi %mul3A_2, %mul3A_373 : i32
        %multiple_of3A_375 = tpu.assume_multiple %add3A_374, 320 : i32
        %dma_start3A_376 = arith.constant 3 : i32
        %dma_start3A_377 = arith.constant 0 : i32
        %dma_start3A_378 = arith.constant 0 : i32
        %dma_start3A_379 = tpu.memref_slice %arg6[%dma_start3A_376, %dma_start3A_377, %dma_start3A_378] : memref<5x320x64xf32, #tpu.memory_space<vmem>> -> memref<1x320x64xf32, #tpu.memory_space<vmem>>
        %dma_start3A_380 = tpu.memref_squeeze %dma_start3A_379 : memref<1x320x64xf32, #tpu.memory_space<vmem>> -> memref<320x64xf32, #tpu.memory_space<vmem>>
        %dma_start3A_381 = arith.constant 0 : i32
        %dma_start3A_382 = tpu.memref_slice %arg4[%multiple_of3A_375, %dma_start3A_381] : memref<819200x128xf32, #tpu.memory_space<hbm>> -> memref<320x64xf32, #tpu.memory_space<hbm>>
        %dma_start3A_383 = arith.constant 0 : i32
        %dma_start3A_384 = tpu.memref_slice %arg4[%multiple_of3A_375, %dma_start3A_383] : memref<819200x128xf32, #tpu.memory_space<hbm>> -> memref<320x64xf32, #tpu.memory_space<hbm>>
        %dma_start3A_385 = arith.constant 0 : i32
        %dma_start3A_386 = arith.constant 0 : i32
        %dma_start3A_387 = tpu.memref_slice %arg6[%dma_start3A_376, %dma_start3A_385, %dma_start3A_386] : memref<5x320x64xf32, #tpu.memory_space<vmem>> -> memref<1x320x64xf32, #tpu.memory_space<vmem>>
        %dma_start3A_388 = tpu.memref_squeeze %dma_start3A_387 : memref<1x320x64xf32, #tpu.memory_space<vmem>> -> memref<320x64xf32, #tpu.memory_space<vmem>>
        tpu.enqueue_dma source(%dma_start3A_388 : memref<320x64xf32, #tpu.memory_space<vmem>>) target(%dma_start3A_384 : memref<320x64xf32, #tpu.memory_space<hbm>>) target_semaphore(%arg15 : memref<!tpu.dma_semaphore, #tpu.memory_space<semaphore_mem>>)
      } else {
      }
      %mul3A_236 = arith.constant 5 : i32
      %mul3A_237 = arith.muli %scan3A_200, %mul3A_236 : i32
      %add3A_238 = arith.constant 2 : i32
      %add3A_239 = arith.addi %mul3A_237, %add3A_238 : i32
      %gt3A_240 = arith.constant 0 : i32
      %gt3A_241 = arith.cmpi sgt, %scan3A_200, %gt3A_240 : i32
      %convert_element_type3A_242 = arith.extui %gt3A_241 : i1 to i32
      %cond3A_243 = arith.constant 0 : i32
      %cond3A_244 = arith.cmpi ne, %convert_element_type3A_242, %cond3A_243 : i32
      scf.if %cond3A_244 {
        %sub3A_358 = arith.constant 5 : i32
        %sub3A_359 = arith.subi %add3A_239, %sub3A_358 : i32
        %mul3A_360 = arith.constant 320 : i32
        %mul3A_361 = arith.muli %sub3A_359, %mul3A_360 : i32
        %add3A_362 = arith.addi %mul3A_2, %mul3A_361 : i32
        %multiple_of3A_363 = tpu.assume_multiple %add3A_362, 320 : i32
        %dma_wait3A_364 = arith.constant 2 : i32
        %dma_wait3A_365 = arith.constant 0 : i32
        %dma_wait3A_366 = arith.constant 0 : i32
        %dma_wait3A_367 = tpu.memref_slice %arg6[%dma_wait3A_364, %dma_wait3A_365, %dma_wait3A_366] : memref<5x320x64xf32, #tpu.memory_space<vmem>> -> memref<1x320x64xf32, #tpu.memory_space<vmem>>
        %dma_wait3A_368 = tpu.memref_squeeze %dma_wait3A_367 : memref<1x320x64xf32, #tpu.memory_space<vmem>> -> memref<320x64xf32, #tpu.memory_space<vmem>>
        %dma_wait3A_369 = arith.constant 0 : i32
        %dma_wait3A_370 = tpu.memref_slice %arg4[%multiple_of3A_363, %dma_wait3A_369] : memref<819200x128xf32, #tpu.memory_space<hbm>> -> memref<320x64xf32, #tpu.memory_space<hbm>>
        %dma_wait3A_371 = arith.constant 0 : i32
        %dma_wait3A_372 = tpu.memref_slice %arg4[%multiple_of3A_363, %dma_wait3A_371] : memref<819200x128xf32, #tpu.memory_space<hbm>> -> memref<320x64xf32, #tpu.memory_space<hbm>>
        %dma_wait3A_373 = arith.constant 0 : i32
        %dma_wait3A_374 = arith.constant 0 : i32
        %dma_wait3A_375 = tpu.memref_slice %arg6[%dma_wait3A_364, %dma_wait3A_373, %dma_wait3A_374] : memref<5x320x64xf32, #tpu.memory_space<vmem>> -> memref<1x320x64xf32, #tpu.memory_space<vmem>>
        %dma_wait3A_376 = tpu.memref_squeeze %dma_wait3A_375 : memref<1x320x64xf32, #tpu.memory_space<vmem>> -> memref<320x64xf32, #tpu.memory_space<vmem>>
        tpu.wait_dma2 semaphore(%arg14 : memref<!tpu.dma_semaphore, #tpu.memory_space<semaphore_mem>>) src(%dma_wait3A_376 : memref<320x64xf32, #tpu.memory_space<vmem>>) dst(%dma_wait3A_372 : memref<320x64xf32, #tpu.memory_space<hbm>>)
      } else {
      }
      %gt3A_245 = arith.constant 0 : i32
      %gt3A_246 = arith.cmpi sgt, %scan3A_200, %gt3A_245 : i32
      %convert_element_type3A_247 = arith.extui %gt3A_246 : i1 to i32
      %cond3A_248 = arith.constant 0 : i32
      %cond3A_249 = arith.cmpi ne, %convert_element_type3A_247, %cond3A_248 : i32
      scf.if %cond3A_249 {
        %mul3A_358 = arith.constant 320 : i32
        %mul3A_359 = arith.muli %add3A_239, %mul3A_358 : i32
        %multiple_of3A_360 = tpu.assume_multiple %mul3A_359, 320 : i32
        %dma_start3A_361 = arith.constant 2 : i32
        %dma_start3A_362 = arith.constant 0 : i32
        %dma_start3A_363 = arith.constant 0 : i32
        %dma_start3A_364 = tpu.memref_slice %arg6[%dma_start3A_361, %dma_start3A_362, %dma_start3A_363] : memref<5x320x64xf32, #tpu.memory_space<vmem>> -> memref<1x320x64xf32, #tpu.memory_space<vmem>>
        %dma_start3A_365 = tpu.memref_squeeze %dma_start3A_364 : memref<1x320x64xf32, #tpu.memory_space<vmem>> -> memref<320x64xf32, #tpu.memory_space<vmem>>
        %dma_start3A_366 = tpu.memref_slice %arg5[%multiple_of3A_360] : memref<25600xi32, #tpu.memory_space<vmem>> -> memref<320xi32, #tpu.memory_space<vmem>>
        %dma_start3A_367 = arith.constant 0 : i32
        %dma_start3A_368 = arith.constant 0 : i32
        %dma_start3A_369 = tpu.memref_slice %arg3[%dma_start3A_367, %dma_start3A_368] : memref<1000000x64xf32, #tpu.memory_space<hbm>> -> memref<1000000x64xf32, #tpu.memory_space<hbm>>
        tpu.enqueue_indirect_dma source(%dma_start3A_369 : memref<1000000x64xf32, #tpu.memory_space<hbm>>) target(%dma_start3A_365 : memref<320x64xf32, #tpu.memory_space<vmem>>) offsets(%dma_start3A_366 : memref<320xi32, #tpu.memory_space<vmem>>) semaphore(%arg9 : memref<!tpu.dma_semaphore, #tpu.memory_space<semaphore_mem>>)
      } else {
      }
      %gt3A_250 = arith.constant 0 : i32
      %gt3A_251 = arith.cmpi sgt, %scan3A_200, %gt3A_250 : i32
      %convert_element_type3A_252 = arith.extui %gt3A_251 : i1 to i32
      %cond3A_253 = arith.constant 0 : i32
      %cond3A_254 = arith.cmpi ne, %convert_element_type3A_252, %cond3A_253 : i32
      scf.if %cond3A_254 {
        %sub3A_358 = arith.constant 3 : i32
        %sub3A_359 = arith.subi %add3A_239, %sub3A_358 : i32
        %mul3A_360 = arith.constant 320 : i32
        %mul3A_361 = arith.muli %sub3A_359, %mul3A_360 : i32
        %multiple_of3A_362 = tpu.assume_multiple %mul3A_361, 320 : i32
        %dma_wait3A_363 = arith.constant 4 : i32
        %dma_wait3A_364 = arith.constant 0 : i32
        %dma_wait3A_365 = arith.constant 0 : i32
        %dma_wait3A_366 = tpu.memref_slice %arg6[%dma_wait3A_363, %dma_wait3A_364, %dma_wait3A_365] : memref<5x320x64xf32, #tpu.memory_space<vmem>> -> memref<1x320x64xf32, #tpu.memory_space<vmem>>
        %dma_wait3A_367 = tpu.memref_squeeze %dma_wait3A_366 : memref<1x320x64xf32, #tpu.memory_space<vmem>> -> memref<320x64xf32, #tpu.memory_space<vmem>>
        %dma_wait3A_368 = tpu.memref_slice %arg5[%multiple_of3A_362] : memref<25600xi32, #tpu.memory_space<vmem>> -> memref<320xi32, #tpu.memory_space<vmem>>
        %dma_wait3A_369 = arith.constant 0 : i32
        %dma_wait3A_370 = arith.constant 0 : i32
        %dma_wait3A_371 = tpu.memref_slice %arg3[%dma_wait3A_369, %dma_wait3A_370] : memref<1000000x64xf32, #tpu.memory_space<hbm>> -> memref<1000000x64xf32, #tpu.memory_space<hbm>>
        tpu.wait_indirect_dma semaphore(%arg11 : memref<!tpu.dma_semaphore, #tpu.memory_space<semaphore_mem>>) src(%dma_wait3A_371 : memref<1000000x64xf32, #tpu.memory_space<hbm>>) dst(%dma_wait3A_367 : memref<320x64xf32, #tpu.memory_space<vmem>>)
        %mul3A_372 = arith.constant 320 : i32
        %mul3A_373 = arith.muli %sub3A_359, %mul3A_372 : i32
        %add3A_374 = arith.addi %mul3A_2, %mul3A_373 : i32
        %multiple_of3A_375 = tpu.assume_multiple %add3A_374, 320 : i32
        %dma_start3A_376 = arith.constant 4 : i32
        %dma_start3A_377 = arith.constant 0 : i32
        %dma_start3A_378 = arith.constant 0 : i32
        %dma_start3A_379 = tpu.memref_slice %arg6[%dma_start3A_376, %dma_start3A_377, %dma_start3A_378] : memref<5x320x64xf32, #tpu.memory_space<vmem>> -> memref<1x320x64xf32, #tpu.memory_space<vmem>>
        %dma_start3A_380 = tpu.memref_squeeze %dma_start3A_379 : memref<1x320x64xf32, #tpu.memory_space<vmem>> -> memref<320x64xf32, #tpu.memory_space<vmem>>
        %dma_start3A_381 = arith.constant 0 : i32
        %dma_start3A_382 = tpu.memref_slice %arg4[%multiple_of3A_375, %dma_start3A_381] : memref<819200x128xf32, #tpu.memory_space<hbm>> -> memref<320x64xf32, #tpu.memory_space<hbm>>
        %dma_start3A_383 = arith.constant 0 : i32
        %dma_start3A_384 = tpu.memref_slice %arg4[%multiple_of3A_375, %dma_start3A_383] : memref<819200x128xf32, #tpu.memory_space<hbm>> -> memref<320x64xf32, #tpu.memory_space<hbm>>
        %dma_start3A_385 = arith.constant 0 : i32
        %dma_start3A_386 = arith.constant 0 : i32
        %dma_start3A_387 = tpu.memref_slice %arg6[%dma_start3A_376, %dma_start3A_385, %dma_start3A_386] : memref<5x320x64xf32, #tpu.memory_space<vmem>> -> memref<1x320x64xf32, #tpu.memory_space<vmem>>
        %dma_start3A_388 = tpu.memref_squeeze %dma_start3A_387 : memref<1x320x64xf32, #tpu.memory_space<vmem>> -> memref<320x64xf32, #tpu.memory_space<vmem>>
        tpu.enqueue_dma source(%dma_start3A_388 : memref<320x64xf32, #tpu.memory_space<vmem>>) target(%dma_start3A_384 : memref<320x64xf32, #tpu.memory_space<hbm>>) target_semaphore(%arg16 : memref<!tpu.dma_semaphore, #tpu.memory_space<semaphore_mem>>)
      } else {
      }
      %mul3A_255 = arith.constant 5 : i32
      %mul3A_256 = arith.muli %scan3A_200, %mul3A_255 : i32
      %add3A_257 = arith.constant 3 : i32
      %add3A_258 = arith.addi %mul3A_256, %add3A_257 : i32
      %gt3A_259 = arith.constant 0 : i32
      %gt3A_260 = arith.cmpi sgt, %scan3A_200, %gt3A_259 : i32
      %convert_element_type3A_261 = arith.extui %gt3A_260 : i1 to i32
      %cond3A_262 = arith.constant 0 : i32
      %cond3A_263 = arith.cmpi ne, %convert_element_type3A_261, %cond3A_262 : i32
      scf.if %cond3A_263 {
        %sub3A_358 = arith.constant 5 : i32
        %sub3A_359 = arith.subi %add3A_258, %sub3A_358 : i32
        %mul3A_360 = arith.constant 320 : i32
        %mul3A_361 = arith.muli %sub3A_359, %mul3A_360 : i32
        %add3A_362 = arith.addi %mul3A_2, %mul3A_361 : i32
        %multiple_of3A_363 = tpu.assume_multiple %add3A_362, 320 : i32
        %dma_wait3A_364 = arith.constant 3 : i32
        %dma_wait3A_365 = arith.constant 0 : i32
        %dma_wait3A_366 = arith.constant 0 : i32
        %dma_wait3A_367 = tpu.memref_slice %arg6[%dma_wait3A_364, %dma_wait3A_365, %dma_wait3A_366] : memref<5x320x64xf32, #tpu.memory_space<vmem>> -> memref<1x320x64xf32, #tpu.memory_space<vmem>>
        %dma_wait3A_368 = tpu.memref_squeeze %dma_wait3A_367 : memref<1x320x64xf32, #tpu.memory_space<vmem>> -> memref<320x64xf32, #tpu.memory_space<vmem>>
        %dma_wait3A_369 = arith.constant 0 : i32
        %dma_wait3A_370 = tpu.memref_slice %arg4[%multiple_of3A_363, %dma_wait3A_369] : memref<819200x128xf32, #tpu.memory_space<hbm>> -> memref<320x64xf32, #tpu.memory_space<hbm>>
        %dma_wait3A_371 = arith.constant 0 : i32
        %dma_wait3A_372 = tpu.memref_slice %arg4[%multiple_of3A_363, %dma_wait3A_371] : memref<819200x128xf32, #tpu.memory_space<hbm>> -> memref<320x64xf32, #tpu.memory_space<hbm>>
        %dma_wait3A_373 = arith.constant 0 : i32
        %dma_wait3A_374 = arith.constant 0 : i32
        %dma_wait3A_375 = tpu.memref_slice %arg6[%dma_wait3A_364, %dma_wait3A_373, %dma_wait3A_374] : memref<5x320x64xf32, #tpu.memory_space<vmem>> -> memref<1x320x64xf32, #tpu.memory_space<vmem>>
        %dma_wait3A_376 = tpu.memref_squeeze %dma_wait3A_375 : memref<1x320x64xf32, #tpu.memory_space<vmem>> -> memref<320x64xf32, #tpu.memory_space<vmem>>
        tpu.wait_dma2 semaphore(%arg15 : memref<!tpu.dma_semaphore, #tpu.memory_space<semaphore_mem>>) src(%dma_wait3A_376 : memref<320x64xf32, #tpu.memory_space<vmem>>) dst(%dma_wait3A_372 : memref<320x64xf32, #tpu.memory_space<hbm>>)
      } else {
      }
      %mul3A_264 = arith.constant 320 : i32
      %mul3A_265 = arith.muli %add3A_258, %mul3A_264 : i32
      %multiple_of3A_266 = tpu.assume_multiple %mul3A_265, 320 : i32
      %dma_start3A_267 = arith.constant 3 : i32
      %dma_start3A_268 = arith.constant 0 : i32
      %dma_start3A_269 = arith.constant 0 : i32
      %dma_start3A_270 = tpu.memref_slice %arg6[%dma_start3A_267, %dma_start3A_268, %dma_start3A_269] : memref<5x320x64xf32, #tpu.memory_space<vmem>> -> memref<1x320x64xf32, #tpu.memory_space<vmem>>
      %dma_start3A_271 = tpu.memref_squeeze %dma_start3A_270 : memref<1x320x64xf32, #tpu.memory_space<vmem>> -> memref<320x64xf32, #tpu.memory_space<vmem>>
      %dma_start3A_272 = tpu.memref_slice %arg5[%multiple_of3A_266] : memref<25600xi32, #tpu.memory_space<vmem>> -> memref<320xi32, #tpu.memory_space<vmem>>
      %dma_start3A_273 = arith.constant 0 : i32
      %dma_start3A_274 = arith.constant 0 : i32
      %dma_start3A_275 = tpu.memref_slice %arg3[%dma_start3A_273, %dma_start3A_274] : memref<1000000x64xf32, #tpu.memory_space<hbm>> -> memref<1000000x64xf32, #tpu.memory_space<hbm>>
      tpu.enqueue_indirect_dma source(%dma_start3A_275 : memref<1000000x64xf32, #tpu.memory_space<hbm>>) target(%dma_start3A_271 : memref<320x64xf32, #tpu.memory_space<vmem>>) offsets(%dma_start3A_272 : memref<320xi32, #tpu.memory_space<vmem>>) semaphore(%arg10 : memref<!tpu.dma_semaphore, #tpu.memory_space<semaphore_mem>>)
      %sub3A = arith.constant 3 : i32
      %sub3A_276 = arith.subi %add3A_258, %sub3A : i32
      %mul3A_277 = arith.constant 320 : i32
      %mul3A_278 = arith.muli %sub3A_276, %mul3A_277 : i32
      %multiple_of3A_279 = tpu.assume_multiple %mul3A_278, 320 : i32
      %dma_wait3A_280 = arith.constant 0 : i32
      %dma_wait3A_281 = arith.constant 0 : i32
      %dma_wait3A_282 = arith.constant 0 : i32
      %dma_wait3A_283 = tpu.memref_slice %arg6[%dma_wait3A_280, %dma_wait3A_281, %dma_wait3A_282] : memref<5x320x64xf32, #tpu.memory_space<vmem>> -> memref<1x320x64xf32, #tpu.memory_space<vmem>>
      %dma_wait3A_284 = tpu.memref_squeeze %dma_wait3A_283 : memref<1x320x64xf32, #tpu.memory_space<vmem>> -> memref<320x64xf32, #tpu.memory_space<vmem>>
      %dma_wait3A_285 = tpu.memref_slice %arg5[%multiple_of3A_279] : memref<25600xi32, #tpu.memory_space<vmem>> -> memref<320xi32, #tpu.memory_space<vmem>>
      %dma_wait3A_286 = arith.constant 0 : i32
      %dma_wait3A_287 = arith.constant 0 : i32
      %dma_wait3A_288 = tpu.memref_slice %arg3[%dma_wait3A_286, %dma_wait3A_287] : memref<1000000x64xf32, #tpu.memory_space<hbm>> -> memref<1000000x64xf32, #tpu.memory_space<hbm>>
      tpu.wait_indirect_dma semaphore(%arg7 : memref<!tpu.dma_semaphore, #tpu.memory_space<semaphore_mem>>) src(%dma_wait3A_288 : memref<1000000x64xf32, #tpu.memory_space<hbm>>) dst(%dma_wait3A_284 : memref<320x64xf32, #tpu.memory_space<vmem>>)
      %mul3A_289 = arith.constant 320 : i32
      %mul3A_290 = arith.muli %sub3A_276, %mul3A_289 : i32
      %add3A_291 = arith.addi %mul3A_2, %mul3A_290 : i32
      %multiple_of3A_292 = tpu.assume_multiple %add3A_291, 320 : i32
      %dma_start3A_293 = arith.constant 0 : i32
      %dma_start3A_294 = arith.constant 0 : i32
      %dma_start3A_295 = arith.constant 0 : i32
      %dma_start3A_296 = tpu.memref_slice %arg6[%dma_start3A_293, %dma_start3A_294, %dma_start3A_295] : memref<5x320x64xf32, #tpu.memory_space<vmem>> -> memref<1x320x64xf32, #tpu.memory_space<vmem>>
      %dma_start3A_297 = tpu.memref_squeeze %dma_start3A_296 : memref<1x320x64xf32, #tpu.memory_space<vmem>> -> memref<320x64xf32, #tpu.memory_space<vmem>>
      %dma_start3A_298 = arith.constant 0 : i32
      %dma_start3A_299 = tpu.memref_slice %arg4[%multiple_of3A_292, %dma_start3A_298] : memref<819200x128xf32, #tpu.memory_space<hbm>> -> memref<320x64xf32, #tpu.memory_space<hbm>>
      %dma_start3A_300 = arith.constant 0 : i32
      %dma_start3A_301 = tpu.memref_slice %arg4[%multiple_of3A_292, %dma_start3A_300] : memref<819200x128xf32, #tpu.memory_space<hbm>> -> memref<320x64xf32, #tpu.memory_space<hbm>>
      %dma_start3A_302 = arith.constant 0 : i32
      %dma_start3A_303 = arith.constant 0 : i32
      %dma_start3A_304 = tpu.memref_slice %arg6[%dma_start3A_293, %dma_start3A_302, %dma_start3A_303] : memref<5x320x64xf32, #tpu.memory_space<vmem>> -> memref<1x320x64xf32, #tpu.memory_space<vmem>>
      %dma_start3A_305 = tpu.memref_squeeze %dma_start3A_304 : memref<1x320x64xf32, #tpu.memory_space<vmem>> -> memref<320x64xf32, #tpu.memory_space<vmem>>
      tpu.enqueue_dma source(%dma_start3A_305 : memref<320x64xf32, #tpu.memory_space<vmem>>) target(%dma_start3A_301 : memref<320x64xf32, #tpu.memory_space<hbm>>) target_semaphore(%arg12 : memref<!tpu.dma_semaphore, #tpu.memory_space<semaphore_mem>>)
      %mul3A_306 = arith.constant 5 : i32
      %mul3A_307 = arith.muli %scan3A_200, %mul3A_306 : i32
      %add3A_308 = arith.constant 4 : i32
      %add3A_309 = arith.addi %mul3A_307, %add3A_308 : i32
      %gt3A_310 = arith.constant 0 : i32
      %gt3A_311 = arith.cmpi sgt, %scan3A_200, %gt3A_310 : i32
      %convert_element_type3A_312 = arith.extui %gt3A_311 : i1 to i32
      %cond3A_313 = arith.constant 0 : i32
      %cond3A_314 = arith.cmpi ne, %convert_element_type3A_312, %cond3A_313 : i32
      scf.if %cond3A_314 {
        %sub3A_358 = arith.constant 5 : i32
        %sub3A_359 = arith.subi %add3A_309, %sub3A_358 : i32
        %mul3A_360 = arith.constant 320 : i32
        %mul3A_361 = arith.muli %sub3A_359, %mul3A_360 : i32
        %add3A_362 = arith.addi %mul3A_2, %mul3A_361 : i32
        %multiple_of3A_363 = tpu.assume_multiple %add3A_362, 320 : i32
        %dma_wait3A_364 = arith.constant 4 : i32
        %dma_wait3A_365 = arith.constant 0 : i32
        %dma_wait3A_366 = arith.constant 0 : i32
        %dma_wait3A_367 = tpu.memref_slice %arg6[%dma_wait3A_364, %dma_wait3A_365, %dma_wait3A_366] : memref<5x320x64xf32, #tpu.memory_space<vmem>> -> memref<1x320x64xf32, #tpu.memory_space<vmem>>
        %dma_wait3A_368 = tpu.memref_squeeze %dma_wait3A_367 : memref<1x320x64xf32, #tpu.memory_space<vmem>> -> memref<320x64xf32, #tpu.memory_space<vmem>>
        %dma_wait3A_369 = arith.constant 0 : i32
        %dma_wait3A_370 = tpu.memref_slice %arg4[%multiple_of3A_363, %dma_wait3A_369] : memref<819200x128xf32, #tpu.memory_space<hbm>> -> memref<320x64xf32, #tpu.memory_space<hbm>>
        %dma_wait3A_371 = arith.constant 0 : i32
        %dma_wait3A_372 = tpu.memref_slice %arg4[%multiple_of3A_363, %dma_wait3A_371] : memref<819200x128xf32, #tpu.memory_space<hbm>> -> memref<320x64xf32, #tpu.memory_space<hbm>>
        %dma_wait3A_373 = arith.constant 0 : i32
        %dma_wait3A_374 = arith.constant 0 : i32
        %dma_wait3A_375 = tpu.memref_slice %arg6[%dma_wait3A_364, %dma_wait3A_373, %dma_wait3A_374] : memref<5x320x64xf32, #tpu.memory_space<vmem>> -> memref<1x320x64xf32, #tpu.memory_space<vmem>>
        %dma_wait3A_376 = tpu.memref_squeeze %dma_wait3A_375 : memref<1x320x64xf32, #tpu.memory_space<vmem>> -> memref<320x64xf32, #tpu.memory_space<vmem>>
        tpu.wait_dma2 semaphore(%arg16 : memref<!tpu.dma_semaphore, #tpu.memory_space<semaphore_mem>>) src(%dma_wait3A_376 : memref<320x64xf32, #tpu.memory_space<vmem>>) dst(%dma_wait3A_372 : memref<320x64xf32, #tpu.memory_space<hbm>>)
      } else {
      }
      %mul3A_315 = arith.constant 320 : i32
      %mul3A_316 = arith.muli %add3A_309, %mul3A_315 : i32
      %multiple_of3A_317 = tpu.assume_multiple %mul3A_316, 320 : i32
      %dma_start3A_318 = arith.constant 4 : i32
      %dma_start3A_319 = arith.constant 0 : i32
      %dma_start3A_320 = arith.constant 0 : i32
      %dma_start3A_321 = tpu.memref_slice %arg6[%dma_start3A_318, %dma_start3A_319, %dma_start3A_320] : memref<5x320x64xf32, #tpu.memory_space<vmem>> -> memref<1x320x64xf32, #tpu.memory_space<vmem>>
      %dma_start3A_322 = tpu.memref_squeeze %dma_start3A_321 : memref<1x320x64xf32, #tpu.memory_space<vmem>> -> memref<320x64xf32, #tpu.memory_space<vmem>>
      %dma_start3A_323 = tpu.memref_slice %arg5[%multiple_of3A_317] : memref<25600xi32, #tpu.memory_space<vmem>> -> memref<320xi32, #tpu.memory_space<vmem>>
      %dma_start3A_324 = arith.constant 0 : i32
      %dma_start3A_325 = arith.constant 0 : i32
      %dma_start3A_326 = tpu.memref_slice %arg3[%dma_start3A_324, %dma_start3A_325] : memref<1000000x64xf32, #tpu.memory_space<hbm>> -> memref<1000000x64xf32, #tpu.memory_space<hbm>>
      tpu.enqueue_indirect_dma source(%dma_start3A_326 : memref<1000000x64xf32, #tpu.memory_space<hbm>>) target(%dma_start3A_322 : memref<320x64xf32, #tpu.memory_space<vmem>>) offsets(%dma_start3A_323 : memref<320xi32, #tpu.memory_space<vmem>>) semaphore(%arg11 : memref<!tpu.dma_semaphore, #tpu.memory_space<semaphore_mem>>)
      %sub3A_327 = arith.constant 3 : i32
      %sub3A_328 = arith.subi %add3A_309, %sub3A_327 : i32
      %mul3A_329 = arith.constant 320 : i32
      %mul3A_330 = arith.muli %sub3A_328, %mul3A_329 : i32
      %multiple_of3A_331 = tpu.assume_multiple %mul3A_330, 320 : i32
      %dma_wait3A_332 = arith.constant 1 : i32
      %dma_wait3A_333 = arith.constant 0 : i32
      %dma_wait3A_334 = arith.constant 0 : i32
      %dma_wait3A_335 = tpu.memref_slice %arg6[%dma_wait3A_332, %dma_wait3A_333, %dma_wait3A_334] : memref<5x320x64xf32, #tpu.memory_space<vmem>> -> memref<1x320x64xf32, #tpu.memory_space<vmem>>
      %dma_wait3A_336 = tpu.memref_squeeze %dma_wait3A_335 : memref<1x320x64xf32, #tpu.memory_space<vmem>> -> memref<320x64xf32, #tpu.memory_space<vmem>>
      %dma_wait3A_337 = tpu.memref_slice %arg5[%multiple_of3A_331] : memref<25600xi32, #tpu.memory_space<vmem>> -> memref<320xi32, #tpu.memory_space<vmem>>
      %dma_wait3A_338 = arith.constant 0 : i32
      %dma_wait3A_339 = arith.constant 0 : i32
      %dma_wait3A_340 = tpu.memref_slice %arg3[%dma_wait3A_338, %dma_wait3A_339] : memref<1000000x64xf32, #tpu.memory_space<hbm>> -> memref<1000000x64xf32, #tpu.memory_space<hbm>>
      tpu.wait_indirect_dma semaphore(%arg8 : memref<!tpu.dma_semaphore, #tpu.memory_space<semaphore_mem>>) src(%dma_wait3A_340 : memref<1000000x64xf32, #tpu.memory_space<hbm>>) dst(%dma_wait3A_336 : memref<320x64xf32, #tpu.memory_space<vmem>>)
      %mul3A_341 = arith.constant 320 : i32
      %mul3A_342 = arith.muli %sub3A_328, %mul3A_341 : i32
      %add3A_343 = arith.addi %mul3A_2, %mul3A_342 : i32
      %multiple_of3A_344 = tpu.assume_multiple %add3A_343, 320 : i32
      %dma_start3A_345 = arith.constant 1 : i32
      %dma_start3A_346 = arith.constant 0 : i32
      %dma_start3A_347 = arith.constant 0 : i32
      %dma_start3A_348 = tpu.memref_slice %arg6[%dma_start3A_345, %dma_start3A_346, %dma_start3A_347] : memref<5x320x64xf32, #tpu.memory_space<vmem>> -> memref<1x320x64xf32, #tpu.memory_space<vmem>>
      %dma_start3A_349 = tpu.memref_squeeze %dma_start3A_348 : memref<1x320x64xf32, #tpu.memory_space<vmem>> -> memref<320x64xf32, #tpu.memory_space<vmem>>
      %dma_start3A_350 = arith.constant 0 : i32
      %dma_start3A_351 = tpu.memref_slice %arg4[%multiple_of3A_344, %dma_start3A_350] : memref<819200x128xf32, #tpu.memory_space<hbm>> -> memref<320x64xf32, #tpu.memory_space<hbm>>
      %dma_start3A_352 = arith.constant 0 : i32
      %dma_start3A_353 = tpu.memref_slice %arg4[%multiple_of3A_344, %dma_start3A_352] : memref<819200x128xf32, #tpu.memory_space<hbm>> -> memref<320x64xf32, #tpu.memory_space<hbm>>
      %dma_start3A_354 = arith.constant 0 : i32
      %dma_start3A_355 = arith.constant 0 : i32
      %dma_start3A_356 = tpu.memref_slice %arg6[%dma_start3A_345, %dma_start3A_354, %dma_start3A_355] : memref<5x320x64xf32, #tpu.memory_space<vmem>> -> memref<1x320x64xf32, #tpu.memory_space<vmem>>
      %dma_start3A_357 = tpu.memref_squeeze %dma_start3A_356 : memref<1x320x64xf32, #tpu.memory_space<vmem>> -> memref<320x64xf32, #tpu.memory_space<vmem>>
      tpu.enqueue_dma source(%dma_start3A_357 : memref<320x64xf32, #tpu.memory_space<vmem>>) target(%dma_start3A_353 : memref<320x64xf32, #tpu.memory_space<hbm>>) target_semaphore(%arg13 : memref<!tpu.dma_semaphore, #tpu.memory_space<semaphore_mem>>)
    }
    %scan3A_39 = arith.constant 16 : i32
    %multiple_of3A_40 = arith.constant 24640 : i32
    %multiple_of3A_41 = tpu.assume_multiple %multiple_of3A_40, 320 : i32
    %dma_wait3A = arith.constant 2 : i32
    %dma_wait3A_42 = arith.constant 0 : i32
    %dma_wait3A_43 = arith.constant 0 : i32
    %dma_wait3A_44 = tpu.memref_slice %arg6[%dma_wait3A, %dma_wait3A_42, %dma_wait3A_43] : memref<5x320x64xf32, #tpu.memory_space<vmem>> -> memref<1x320x64xf32, #tpu.memory_space<vmem>>
    %dma_wait3A_45 = tpu.memref_squeeze %dma_wait3A_44 : memref<1x320x64xf32, #tpu.memory_space<vmem>> -> memref<320x64xf32, #tpu.memory_space<vmem>>
    %dma_wait3A_46 = tpu.memref_slice %arg5[%multiple_of3A_41] : memref<25600xi32, #tpu.memory_space<vmem>> -> memref<320xi32, #tpu.memory_space<vmem>>
    %dma_wait3A_47 = arith.constant 0 : i32
    %dma_wait3A_48 = arith.constant 0 : i32
    %dma_wait3A_49 = tpu.memref_slice %arg3[%dma_wait3A_47, %dma_wait3A_48] : memref<1000000x64xf32, #tpu.memory_space<hbm>> -> memref<1000000x64xf32, #tpu.memory_space<hbm>>
    tpu.wait_indirect_dma semaphore(%arg9 : memref<!tpu.dma_semaphore, #tpu.memory_space<semaphore_mem>>) src(%dma_wait3A_49 : memref<1000000x64xf32, #tpu.memory_space<hbm>>) dst(%dma_wait3A_45 : memref<320x64xf32, #tpu.memory_space<vmem>>)
    %add3A_50 = arith.constant 24640 : i32
    %add3A_51 = arith.addi %mul3A_2, %add3A_50 : i32
    %multiple_of3A_52 = tpu.assume_multiple %add3A_51, 320 : i32
    %dma_start3A_53 = arith.constant 2 : i32
    %dma_start3A_54 = arith.constant 0 : i32
    %dma_start3A_55 = arith.constant 0 : i32
    %dma_start3A_56 = tpu.memref_slice %arg6[%dma_start3A_53, %dma_start3A_54, %dma_start3A_55] : memref<5x320x64xf32, #tpu.memory_space<vmem>> -> memref<1x320x64xf32, #tpu.memory_space<vmem>>
    %dma_start3A_57 = tpu.memref_squeeze %dma_start3A_56 : memref<1x320x64xf32, #tpu.memory_space<vmem>> -> memref<320x64xf32, #tpu.memory_space<vmem>>
    %dma_start3A_58 = arith.constant 0 : i32
    %dma_start3A_59 = tpu.memref_slice %arg4[%multiple_of3A_52, %dma_start3A_58] : memref<819200x128xf32, #tpu.memory_space<hbm>> -> memref<320x64xf32, #tpu.memory_space<hbm>>
    %dma_start3A_60 = arith.constant 0 : i32
    %dma_start3A_61 = tpu.memref_slice %arg4[%multiple_of3A_52, %dma_start3A_60] : memref<819200x128xf32, #tpu.memory_space<hbm>> -> memref<320x64xf32, #tpu.memory_space<hbm>>
    %dma_start3A_62 = arith.constant 0 : i32
    %dma_start3A_63 = arith.constant 0 : i32
    %dma_start3A_64 = tpu.memref_slice %arg6[%dma_start3A_53, %dma_start3A_62, %dma_start3A_63] : memref<5x320x64xf32, #tpu.memory_space<vmem>> -> memref<1x320x64xf32, #tpu.memory_space<vmem>>
    %dma_start3A_65 = tpu.memref_squeeze %dma_start3A_64 : memref<1x320x64xf32, #tpu.memory_space<vmem>> -> memref<320x64xf32, #tpu.memory_space<vmem>>
    tpu.enqueue_dma source(%dma_start3A_65 : memref<320x64xf32, #tpu.memory_space<vmem>>) target(%dma_start3A_61 : memref<320x64xf32, #tpu.memory_space<hbm>>) target_semaphore(%arg14 : memref<!tpu.dma_semaphore, #tpu.memory_space<semaphore_mem>>)
    %multiple_of3A_66 = arith.constant 24960 : i32
    %multiple_of3A_67 = tpu.assume_multiple %multiple_of3A_66, 320 : i32
    %dma_wait3A_68 = arith.constant 3 : i32
    %dma_wait3A_69 = arith.constant 0 : i32
    %dma_wait3A_70 = arith.constant 0 : i32
    %dma_wait3A_71 = tpu.memref_slice %arg6[%dma_wait3A_68, %dma_wait3A_69, %dma_wait3A_70] : memref<5x320x64xf32, #tpu.memory_space<vmem>> -> memref<1x320x64xf32, #tpu.memory_space<vmem>>
    %dma_wait3A_72 = tpu.memref_squeeze %dma_wait3A_71 : memref<1x320x64xf32, #tpu.memory_space<vmem>> -> memref<320x64xf32, #tpu.memory_space<vmem>>
    %dma_wait3A_73 = tpu.memref_slice %arg5[%multiple_of3A_67] : memref<25600xi32, #tpu.memory_space<vmem>> -> memref<320xi32, #tpu.memory_space<vmem>>
    %dma_wait3A_74 = arith.constant 0 : i32
    %dma_wait3A_75 = arith.constant 0 : i32
    %dma_wait3A_76 = tpu.memref_slice %arg3[%dma_wait3A_74, %dma_wait3A_75] : memref<1000000x64xf32, #tpu.memory_space<hbm>> -> memref<1000000x64xf32, #tpu.memory_space<hbm>>
    tpu.wait_indirect_dma semaphore(%arg10 : memref<!tpu.dma_semaphore, #tpu.memory_space<semaphore_mem>>) src(%dma_wait3A_76 : memref<1000000x64xf32, #tpu.memory_space<hbm>>) dst(%dma_wait3A_72 : memref<320x64xf32, #tpu.memory_space<vmem>>)
    %add3A_77 = arith.constant 24960 : i32
    %add3A_78 = arith.addi %mul3A_2, %add3A_77 : i32
    %multiple_of3A_79 = tpu.assume_multiple %add3A_78, 320 : i32
    %dma_start3A_80 = arith.constant 3 : i32
    %dma_start3A_81 = arith.constant 0 : i32
    %dma_start3A_82 = arith.constant 0 : i32
    %dma_start3A_83 = tpu.memref_slice %arg6[%dma_start3A_80, %dma_start3A_81, %dma_start3A_82] : memref<5x320x64xf32, #tpu.memory_space<vmem>> -> memref<1x320x64xf32, #tpu.memory_space<vmem>>
    %dma_start3A_84 = tpu.memref_squeeze %dma_start3A_83 : memref<1x320x64xf32, #tpu.memory_space<vmem>> -> memref<320x64xf32, #tpu.memory_space<vmem>>
    %dma_start3A_85 = arith.constant 0 : i32
    %dma_start3A_86 = tpu.memref_slice %arg4[%multiple_of3A_79, %dma_start3A_85] : memref<819200x128xf32, #tpu.memory_space<hbm>> -> memref<320x64xf32, #tpu.memory_space<hbm>>
    %dma_start3A_87 = arith.constant 0 : i32
    %dma_start3A_88 = tpu.memref_slice %arg4[%multiple_of3A_79, %dma_start3A_87] : memref<819200x128xf32, #tpu.memory_space<hbm>> -> memref<320x64xf32, #tpu.memory_space<hbm>>
    %dma_start3A_89 = arith.constant 0 : i32
    %dma_start3A_90 = arith.constant 0 : i32
    %dma_start3A_91 = tpu.memref_slice %arg6[%dma_start3A_80, %dma_start3A_89, %dma_start3A_90] : memref<5x320x64xf32, #tpu.memory_space<vmem>> -> memref<1x320x64xf32, #tpu.memory_space<vmem>>
    %dma_start3A_92 = tpu.memref_squeeze %dma_start3A_91 : memref<1x320x64xf32, #tpu.memory_space<vmem>> -> memref<320x64xf32, #tpu.memory_space<vmem>>
    tpu.enqueue_dma source(%dma_start3A_92 : memref<320x64xf32, #tpu.memory_space<vmem>>) target(%dma_start3A_88 : memref<320x64xf32, #tpu.memory_space<hbm>>) target_semaphore(%arg15 : memref<!tpu.dma_semaphore, #tpu.memory_space<semaphore_mem>>)
    %multiple_of3A_93 = arith.constant 25280 : i32
    %multiple_of3A_94 = tpu.assume_multiple %multiple_of3A_93, 320 : i32
    %dma_wait3A_95 = arith.constant 4 : i32
    %dma_wait3A_96 = arith.constant 0 : i32
    %dma_wait3A_97 = arith.constant 0 : i32
    %dma_wait3A_98 = tpu.memref_slice %arg6[%dma_wait3A_95, %dma_wait3A_96, %dma_wait3A_97] : memref<5x320x64xf32, #tpu.memory_space<vmem>> -> memref<1x320x64xf32, #tpu.memory_space<vmem>>
    %dma_wait3A_99 = tpu.memref_squeeze %dma_wait3A_98 : memref<1x320x64xf32, #tpu.memory_space<vmem>> -> memref<320x64xf32, #tpu.memory_space<vmem>>
    %dma_wait3A_100 = tpu.memref_slice %arg5[%multiple_of3A_94] : memref<25600xi32, #tpu.memory_space<vmem>> -> memref<320xi32, #tpu.memory_space<vmem>>
    %dma_wait3A_101 = arith.constant 0 : i32
    %dma_wait3A_102 = arith.constant 0 : i32
    %dma_wait3A_103 = tpu.memref_slice %arg3[%dma_wait3A_101, %dma_wait3A_102] : memref<1000000x64xf32, #tpu.memory_space<hbm>> -> memref<1000000x64xf32, #tpu.memory_space<hbm>>
    tpu.wait_indirect_dma semaphore(%arg11 : memref<!tpu.dma_semaphore, #tpu.memory_space<semaphore_mem>>) src(%dma_wait3A_103 : memref<1000000x64xf32, #tpu.memory_space<hbm>>) dst(%dma_wait3A_99 : memref<320x64xf32, #tpu.memory_space<vmem>>)
    %add3A_104 = arith.constant 25280 : i32
    %add3A_105 = arith.addi %mul3A_2, %add3A_104 : i32
    %multiple_of3A_106 = tpu.assume_multiple %add3A_105, 320 : i32
    %dma_start3A_107 = arith.constant 4 : i32
    %dma_start3A_108 = arith.constant 0 : i32
    %dma_start3A_109 = arith.constant 0 : i32
    %dma_start3A_110 = tpu.memref_slice %arg6[%dma_start3A_107, %dma_start3A_108, %dma_start3A_109] : memref<5x320x64xf32, #tpu.memory_space<vmem>> -> memref<1x320x64xf32, #tpu.memory_space<vmem>>
    %dma_start3A_111 = tpu.memref_squeeze %dma_start3A_110 : memref<1x320x64xf32, #tpu.memory_space<vmem>> -> memref<320x64xf32, #tpu.memory_space<vmem>>
    %dma_start3A_112 = arith.constant 0 : i32
    %dma_start3A_113 = tpu.memref_slice %arg4[%multiple_of3A_106, %dma_start3A_112] : memref<819200x128xf32, #tpu.memory_space<hbm>> -> memref<320x64xf32, #tpu.memory_space<hbm>>
    %dma_start3A_114 = arith.constant 0 : i32
    %dma_start3A_115 = tpu.memref_slice %arg4[%multiple_of3A_106, %dma_start3A_114] : memref<819200x128xf32, #tpu.memory_space<hbm>> -> memref<320x64xf32, #tpu.memory_space<hbm>>
    %dma_start3A_116 = arith.constant 0 : i32
    %dma_start3A_117 = arith.constant 0 : i32
    %dma_start3A_118 = tpu.memref_slice %arg6[%dma_start3A_107, %dma_start3A_116, %dma_start3A_117] : memref<5x320x64xf32, #tpu.memory_space<vmem>> -> memref<1x320x64xf32, #tpu.memory_space<vmem>>
    %dma_start3A_119 = tpu.memref_squeeze %dma_start3A_118 : memref<1x320x64xf32, #tpu.memory_space<vmem>> -> memref<320x64xf32, #tpu.memory_space<vmem>>
    tpu.enqueue_dma source(%dma_start3A_119 : memref<320x64xf32, #tpu.memory_space<vmem>>) target(%dma_start3A_115 : memref<320x64xf32, #tpu.memory_space<hbm>>) target_semaphore(%arg16 : memref<!tpu.dma_semaphore, #tpu.memory_space<semaphore_mem>>)
    %add3A_120 = arith.constant 24000 : i32
    %add3A_121 = arith.addi %mul3A_2, %add3A_120 : i32
    %multiple_of3A_122 = tpu.assume_multiple %add3A_121, 320 : i32
    %dma_wait3A_123 = arith.constant 0 : i32
    %dma_wait3A_124 = arith.constant 0 : i32
    %dma_wait3A_125 = arith.constant 0 : i32
    %dma_wait3A_126 = tpu.memref_slice %arg6[%dma_wait3A_123, %dma_wait3A_124, %dma_wait3A_125] : memref<5x320x64xf32, #tpu.memory_space<vmem>> -> memref<1x320x64xf32, #tpu.memory_space<vmem>>
    %dma_wait3A_127 = tpu.memref_squeeze %dma_wait3A_126 : memref<1x320x64xf32, #tpu.memory_space<vmem>> -> memref<320x64xf32, #tpu.memory_space<vmem>>
    %dma_wait3A_128 = arith.constant 0 : i32
    %dma_wait3A_129 = tpu.memref_slice %arg4[%multiple_of3A_122, %dma_wait3A_128] : memref<819200x128xf32, #tpu.memory_space<hbm>> -> memref<320x64xf32, #tpu.memory_space<hbm>>
    %dma_wait3A_130 = arith.constant 0 : i32
    %dma_wait3A_131 = tpu.memref_slice %arg4[%multiple_of3A_122, %dma_wait3A_130] : memref<819200x128xf32, #tpu.memory_space<hbm>> -> memref<320x64xf32, #tpu.memory_space<hbm>>
    %dma_wait3A_132 = arith.constant 0 : i32
    %dma_wait3A_133 = arith.constant 0 : i32
    %dma_wait3A_134 = tpu.memref_slice %arg6[%dma_wait3A_123, %dma_wait3A_132, %dma_wait3A_133] : memref<5x320x64xf32, #tpu.memory_space<vmem>> -> memref<1x320x64xf32, #tpu.memory_space<vmem>>
    %dma_wait3A_135 = tpu.memref_squeeze %dma_wait3A_134 : memref<1x320x64xf32, #tpu.memory_space<vmem>> -> memref<320x64xf32, #tpu.memory_space<vmem>>
    tpu.wait_dma2 semaphore(%arg12 : memref<!tpu.dma_semaphore, #tpu.memory_space<semaphore_mem>>) src(%dma_wait3A_135 : memref<320x64xf32, #tpu.memory_space<vmem>>) dst(%dma_wait3A_131 : memref<320x64xf32, #tpu.memory_space<hbm>>)
    %add3A_136 = arith.constant 24320 : i32
    %add3A_137 = arith.addi %mul3A_2, %add3A_136 : i32
    %multiple_of3A_138 = tpu.assume_multiple %add3A_137, 320 : i32
    %dma_wait3A_139 = arith.constant 1 : i32
    %dma_wait3A_140 = arith.constant 0 : i32
    %dma_wait3A_141 = arith.constant 0 : i32
    %dma_wait3A_142 = tpu.memref_slice %arg6[%dma_wait3A_139, %dma_wait3A_140, %dma_wait3A_141] : memref<5x320x64xf32, #tpu.memory_space<vmem>> -> memref<1x320x64xf32, #tpu.memory_space<vmem>>
    %dma_wait3A_143 = tpu.memref_squeeze %dma_wait3A_142 : memref<1x320x64xf32, #tpu.memory_space<vmem>> -> memref<320x64xf32, #tpu.memory_space<vmem>>
    %dma_wait3A_144 = arith.constant 0 : i32
    %dma_wait3A_145 = tpu.memref_slice %arg4[%multiple_of3A_138, %dma_wait3A_144] : memref<819200x128xf32, #tpu.memory_space<hbm>> -> memref<320x64xf32, #tpu.memory_space<hbm>>
    %dma_wait3A_146 = arith.constant 0 : i32
    %dma_wait3A_147 = tpu.memref_slice %arg4[%multiple_of3A_138, %dma_wait3A_146] : memref<819200x128xf32, #tpu.memory_space<hbm>> -> memref<320x64xf32, #tpu.memory_space<hbm>>
    %dma_wait3A_148 = arith.constant 0 : i32
    %dma_wait3A_149 = arith.constant 0 : i32
    %dma_wait3A_150 = tpu.memref_slice %arg6[%dma_wait3A_139, %dma_wait3A_148, %dma_wait3A_149] : memref<5x320x64xf32, #tpu.memory_space<vmem>> -> memref<1x320x64xf32, #tpu.memory_space<vmem>>
    %dma_wait3A_151 = tpu.memref_squeeze %dma_wait3A_150 : memref<1x320x64xf32, #tpu.memory_space<vmem>> -> memref<320x64xf32, #tpu.memory_space<vmem>>
    tpu.wait_dma2 semaphore(%arg13 : memref<!tpu.dma_semaphore, #tpu.memory_space<semaphore_mem>>) src(%dma_wait3A_151 : memref<320x64xf32, #tpu.memory_space<vmem>>) dst(%dma_wait3A_147 : memref<320x64xf32, #tpu.memory_space<hbm>>)
    %add3A_152 = arith.constant 24640 : i32
    %add3A_153 = arith.addi %mul3A_2, %add3A_152 : i32
    %multiple_of3A_154 = tpu.assume_multiple %add3A_153, 320 : i32
    %dma_wait3A_155 = arith.constant 2 : i32
    %dma_wait3A_156 = arith.constant 0 : i32
    %dma_wait3A_157 = arith.constant 0 : i32
    %dma_wait3A_158 = tpu.memref_slice %arg6[%dma_wait3A_155, %dma_wait3A_156, %dma_wait3A_157] : memref<5x320x64xf32, #tpu.memory_space<vmem>> -> memref<1x320x64xf32, #tpu.memory_space<vmem>>
    %dma_wait3A_159 = tpu.memref_squeeze %dma_wait3A_158 : memref<1x320x64xf32, #tpu.memory_space<vmem>> -> memref<320x64xf32, #tpu.memory_space<vmem>>
    %dma_wait3A_160 = arith.constant 0 : i32
    %dma_wait3A_161 = tpu.memref_slice %arg4[%multiple_of3A_154, %dma_wait3A_160] : memref<819200x128xf32, #tpu.memory_space<hbm>> -> memref<320x64xf32, #tpu.memory_space<hbm>>
    %dma_wait3A_162 = arith.constant 0 : i32
    %dma_wait3A_163 = tpu.memref_slice %arg4[%multiple_of3A_154, %dma_wait3A_162] : memref<819200x128xf32, #tpu.memory_space<hbm>> -> memref<320x64xf32, #tpu.memory_space<hbm>>
    %dma_wait3A_164 = arith.constant 0 : i32
    %dma_wait3A_165 = arith.constant 0 : i32
    %dma_wait3A_166 = tpu.memref_slice %arg6[%dma_wait3A_155, %dma_wait3A_164, %dma_wait3A_165] : memref<5x320x64xf32, #tpu.memory_space<vmem>> -> memref<1x320x64xf32, #tpu.memory_space<vmem>>
    %dma_wait3A_167 = tpu.memref_squeeze %dma_wait3A_166 : memref<1x320x64xf32, #tpu.memory_space<vmem>> -> memref<320x64xf32, #tpu.memory_space<vmem>>
    tpu.wait_dma2 semaphore(%arg14 : memref<!tpu.dma_semaphore, #tpu.memory_space<semaphore_mem>>) src(%dma_wait3A_167 : memref<320x64xf32, #tpu.memory_space<vmem>>) dst(%dma_wait3A_163 : memref<320x64xf32, #tpu.memory_space<hbm>>)
    %add3A_168 = arith.constant 24960 : i32
    %add3A_169 = arith.addi %mul3A_2, %add3A_168 : i32
    %multiple_of3A_170 = tpu.assume_multiple %add3A_169, 320 : i32
    %dma_wait3A_171 = arith.constant 3 : i32
    %dma_wait3A_172 = arith.constant 0 : i32
    %dma_wait3A_173 = arith.constant 0 : i32
    %dma_wait3A_174 = tpu.memref_slice %arg6[%dma_wait3A_171, %dma_wait3A_172, %dma_wait3A_173] : memref<5x320x64xf32, #tpu.memory_space<vmem>> -> memref<1x320x64xf32, #tpu.memory_space<vmem>>
    %dma_wait3A_175 = tpu.memref_squeeze %dma_wait3A_174 : memref<1x320x64xf32, #tpu.memory_space<vmem>> -> memref<320x64xf32, #tpu.memory_space<vmem>>
    %dma_wait3A_176 = arith.constant 0 : i32
    %dma_wait3A_177 = tpu.memref_slice %arg4[%multiple_of3A_170, %dma_wait3A_176] : memref<819200x128xf32, #tpu.memory_space<hbm>> -> memref<320x64xf32, #tpu.memory_space<hbm>>
    %dma_wait3A_178 = arith.constant 0 : i32
    %dma_wait3A_179 = tpu.memref_slice %arg4[%multiple_of3A_170, %dma_wait3A_178] : memref<819200x128xf32, #tpu.memory_space<hbm>> -> memref<320x64xf32, #tpu.memory_space<hbm>>
    %dma_wait3A_180 = arith.constant 0 : i32
    %dma_wait3A_181 = arith.constant 0 : i32
    %dma_wait3A_182 = tpu.memref_slice %arg6[%dma_wait3A_171, %dma_wait3A_180, %dma_wait3A_181] : memref<5x320x64xf32, #tpu.memory_space<vmem>> -> memref<1x320x64xf32, #tpu.memory_space<vmem>>
    %dma_wait3A_183 = tpu.memref_squeeze %dma_wait3A_182 : memref<1x320x64xf32, #tpu.memory_space<vmem>> -> memref<320x64xf32, #tpu.memory_space<vmem>>
    tpu.wait_dma2 semaphore(%arg15 : memref<!tpu.dma_semaphore, #tpu.memory_space<semaphore_mem>>) src(%dma_wait3A_183 : memref<320x64xf32, #tpu.memory_space<vmem>>) dst(%dma_wait3A_179 : memref<320x64xf32, #tpu.memory_space<hbm>>)
    %add3A_184 = arith.constant 25280 : i32
    %add3A_185 = arith.addi %mul3A_2, %add3A_184 : i32
    %multiple_of3A_186 = tpu.assume_multiple %add3A_185, 320 : i32
    %dma_wait3A_187 = arith.constant 4 : i32
    %dma_wait3A_188 = arith.constant 0 : i32
    %dma_wait3A_189 = arith.constant 0 : i32
    %dma_wait3A_190 = tpu.memref_slice %arg6[%dma_wait3A_187, %dma_wait3A_188, %dma_wait3A_189] : memref<5x320x64xf32, #tpu.memory_space<vmem>> -> memref<1x320x64xf32, #tpu.memory_space<vmem>>
    %dma_wait3A_191 = tpu.memref_squeeze %dma_wait3A_190 : memref<1x320x64xf32, #tpu.memory_space<vmem>> -> memref<320x64xf32, #tpu.memory_space<vmem>>
    %dma_wait3A_192 = arith.constant 0 : i32
    %dma_wait3A_193 = tpu.memref_slice %arg4[%multiple_of3A_186, %dma_wait3A_192] : memref<819200x128xf32, #tpu.memory_space<hbm>> -> memref<320x64xf32, #tpu.memory_space<hbm>>
    %dma_wait3A_194 = arith.constant 0 : i32
    %dma_wait3A_195 = tpu.memref_slice %arg4[%multiple_of3A_186, %dma_wait3A_194] : memref<819200x128xf32, #tpu.memory_space<hbm>> -> memref<320x64xf32, #tpu.memory_space<hbm>>
    %dma_wait3A_196 = arith.constant 0 : i32
    %dma_wait3A_197 = arith.constant 0 : i32
    %dma_wait3A_198 = tpu.memref_slice %arg6[%dma_wait3A_187, %dma_wait3A_196, %dma_wait3A_197] : memref<5x320x64xf32, #tpu.memory_space<vmem>> -> memref<1x320x64xf32, #tpu.memory_space<vmem>>
    %dma_wait3A_199 = tpu.memref_squeeze %dma_wait3A_198 : memref<1x320x64xf32, #tpu.memory_space<vmem>> -> memref<320x64xf32, #tpu.memory_space<vmem>>
    tpu.wait_dma2 semaphore(%arg16 : memref<!tpu.dma_semaphore, #tpu.memory_space<semaphore_mem>>) src(%dma_wait3A_199 : memref<320x64xf32, #tpu.memory_space<vmem>>) dst(%dma_wait3A_195 : memref<320x64xf32, #tpu.memory_space<hbm>>)
    return
  }
}

</mosaic_0001>

<sc_bundles>
// kernel: kernel.3.cloned.1.call-start
scs
__scs_entry_jumppad:
0x0: {  	(pc) =	sbr.rel $0x88, $3  }
0x1: {  	(tag) =	ssettag $0x0;
	lr =	simm.s32 $0x1  }
0x2: {  	[smem:$0x3F9F] =	sst lr;
	_ =	strace $0xD0000000  }
0x3: {  	_ = 	snop  }
0x4: {  	_ = 	snop  }
0x5: {  	_ = 	snop  }
0x6: {  	_ = 	snop  }
0x7: {  	_ = 	snop  }
__scs_overlays_trampoline_lowered:
0x8: {  	[smem:$0x3FAE] =	sst s0  }
0x9: {  	[smem:$0x3FAF] =	sst s1  }
0xa: {  	[smem:$0x3FB0] =	sst s2  }
0xb: {  	[smem:$0x3FB1] =	sst s3  }
0xc: {  	[smem:$0x3FB2] =	sst s4  }
0xd: {  	[smem:$0x3FB3] =	sst s5  }
0xe: {  	[smem:$0x3FB4] =	sst s6  }
0xf: {  	[smem:$0x3FB5] =	sst s7  }
0x10: {  	[smem:$0x3FB6] =	sst s8  }
0x11: {  	[smem:$0x3FB7] =	sst s9;
	s0 =	simm.s32 @!p0 $0x0  }
0x12: {  	s1 =	sld [smem:$0x3F9D];
	s0 =	simm.s32 @p0 $0x1  }
0x13: {  	[smem:$0x3FB8] =	sst s0;
	s0 =	simm.s32 @!p1 $0x0  }
0x14: {  	s2 =	sld [smem:$0x3F9C];
	s0 =	simm.s32 @p1 $0x1  }
0x15: {  	[smem:$0x3FB9] =	sst s0;
	s0 =	simm.s32 @!p2 $0x0  }
0x16: {  	s3 =	sld [smem:$0x3FDB];
	s0 =	simm.s32 @p2 $0x1  }
0x17: {  	s4 =	simm.s32 $0x1BF5;
	[smem:$0x3FBB] =	sst s0  }
0x18: {  	s0 =	sld [smem:$0x3F9E];
	_ =	swait.ge [sflag:s4], $0x0  }
0x19: {  	s7 =	sld [smem:$0x3F9F]  }
0x1a: {  	s8 =	sadd.s32 $0xFFFFE003, lr  }
0x1b: {  	s9 =	sadd.s32 $0xFFFFFEF7, lr;
	s5 =	simm.s32 $0xFFFFFFFF;
	p2 =	slt.u32 s8, $0xFFFFF086  }
0x1c: {  	p1 =	slt.u32 s9, $0xF7A;
	s5 =	simm.s32 @!p2 $0x0  }
0x1d: {  	s5 =	simm.s32 @p1 $0x1;
	p0 =	seq.s32 s7, s2  }
0x1e: {  	s7 =	smul.u32 @!p0 $0xF7A, s2;
	p2 =	seq.s32 @!p0 s5, $0x0  }
0x1f: {  	s9 =	smul.u32 $0xF7A, s1;
	s8 =	simm.s32 @!p0 $0x1BF5;
	p2 =	por !p2, p0  }
0x20: {  	[sflag:s8] =	ssyncset.s32 @!p0 $0xFFFFF086;
	s6 =	sadd.s32 @!p0 s3, s7;
	s7 =	simm.s32 @!p0 $0x108  }
0x21: {  	s3 =	sadd.s32 s3, s9;
	s6 =	sadd.s32 @!p0 $0x88, s6;
	s7 =	simm.s32 @p2 $0x1082  }
0x22: {  	[simem:s7], [sflag:s8] =	dma.local @!p0 [hbm:s6], $0xF7A  }
0x23: {  	s9 =	sor.u32 $0xD0000000, s2;
	s6 =	simm.s32 $0x108;
	_ =	swait.ge @!p0 [sflag:s8], $0x0  }
0x24: {  	s3 =	sadd.s32 $0x88, s3;
	s6 =	simm.s32 @!p1 $0x1082;
	[sflag:s4] =	ssyncset.s32 $0xFFFFF086  }
0x25: {  	[simem:s6], [sflag:s4] =	dma.local [hbm:s3], $0xF7A  }
0x26: {  	[smem:$0x3F9F] =	sst s1;
	(tag) =	ssettag s2;
	_ =	strace s9  }
0x27: {  	s1 =	sld [smem:$0x3FAF]  }
0x28: {  	s2 =	sld [smem:$0x3FB0]  }
0x29: {  	s4 =	sld [smem:$0x3FB2]  }
0x2a: {  	p0 =	seq.s32 s5, $0x0;
	s5 =	sld [smem:$0x3FB3]  }
0x2b: {  	s6 =	sld [smem:$0x3FB4]  }
0x2c: {  	s7 =	sld [smem:$0x3FB5]  }
0x2d: {  	s3 =	simm.s32 $0x108;
	s8 =	sld [smem:$0x3FB6]  }
0x2e: {  	s3 =	simm.s32 @!p0 $0x1082;
	s9 =	sld [smem:$0x3FB7]  }
0x2f: {  	lr =	sadd.s32 s0, s3;
	s0 =	sld [smem:$0x3FAE]  }
0x30: {  	s3 =	sld [smem:$0x3FB1]  }
0x31: {  	[smem:$0x3FBA] =	sst s10  }
0x32: {  	s10 =	sld [smem:$0x3FB8];
	_ =	sdelay $0x3  }
0x33: {  	p0 =	seq.s32 s10, $0x1;
	s10 =	sld [smem:$0x3FBA];
	_ =	sdelay $0x3  }
0x34: {  	[smem:$0x3FBA] =	sst s10  }
0x35: {  	s10 =	sld [smem:$0x3FB9];
	_ =	sdelay $0x3  }
0x36: {  	p1 =	seq.s32 s10, $0x1;
	s10 =	sld [smem:$0x3FBA];
	_ =	sdelay $0x3  }
0x37: {  	[smem:$0x3FBA] =	sst s10  }
0x38: {  	s10 =	sld [smem:$0x3FBB]  }
0x39: {  	_ = 	snop;
	(pc) =	sbr.ind lr, $3  }
0x3a: {  	_ = 	snop  }
0x3b: {  	_ = 	snop  }
0x3c: {  	p2 =	seq.s32 s10, $0x1;
	s10 =	sld [smem:$0x3FBA]  }
0x3d: {  	_ =	shalt  }
0x3e: {  	_ =	shalt  }
0x3f: {  	_ =	shalt  }
0x40: {  	_ =	shalt  }
0x41: {  	_ =	shalt  }
0x42: {  	_ =	shalt  }
0x43: {  	_ =	shalt  }
0x44: {  	_ =	shalt  }
0x45: {  	_ =	shalt  }
0x46: {  	_ =	shalt  }
0x47: {  	_ =	shalt  }
0x48: {  	_ =	shalt  }
0x49: {  	_ =	shalt  }
0x4a: {  	_ =	shalt  }
0x4b: {  	_ =	shalt  }
0x4c: {  	_ =	shalt  }
0x4d: {  	_ =	shalt  }
0x4e: {  	_ =	shalt  }
0x4f: {  	_ =	shalt  }
0x50: {  	_ =	shalt  }
0x51: {  	_ =	shalt  }
0x52: {  	_ =	shalt  }
0x53: {  	_ =	shalt  }
0x54: {  	_ =	shalt  }
0x55: {  	_ =	shalt  }
0x56: {  	_ =	shalt  }
0x57: {  	_ =	shalt  }
0x58: {  	_ =	shalt  }
0x59: {  	_ =	shalt  }
0x5a: {  	_ =	shalt  }
0x5b: {  	_ =	shalt  }
0x5c: {  	_ =	shalt  }
0x5d: {  	_ =	shalt  }
0x5e: {  	_ =	shalt  }
0x5f: {  	_ =	shalt  }
0x60: {  	_ =	shalt  }
0x61: {  	_ =	shalt  }
0x62: {  	_ =	shalt  }
0x63: {  	_ =	shalt  }
0x64: {  	_ =	shalt  }
0x65: {  	_ =	shalt  }
0x66: {  	_ =	shalt  }
0x67: {  	_ =	shalt  }
0x68: {  	_ =	shalt  }
0x69: {  	_ =	shalt  }
0x6a: {  	_ =	shalt  }
0x6b: {  	_ =	shalt  }
0x6c: {  	_ =	shalt  }
0x6d: {  	_ =	shalt  }
0x6e: {  	_ =	shalt  }
0x6f: {  	_ =	shalt  }
0x70: {  	_ =	shalt  }
0x71: {  	_ =	shalt  }
0x72: {  	_ =	shalt  }
0x73: {  	_ =	shalt  }
0x74: {  	_ =	shalt  }
0x75: {  	_ =	shalt  }
0x76: {  	_ =	shalt  }
0x77: {  	_ =	shalt  }
0x78: {  	_ =	shalt  }
0x79: {  	_ =	shalt  }
0x7a: {  	_ =	shalt  }
0x7b: {  	_ =	shalt  }
0x7c: {  	_ =	shalt  }
0x7d: {  	_ =	shalt  }
0x7e: {  	_ =	shalt  }
0x7f: {  	_ =	shalt  }
0x80: {  	_ =	shalt  }
0x81: {  	_ =	shalt  }
0x82: {  	_ =	shalt  }
0x83: {  	_ =	shalt  }
0x84: {  	_ =	shalt  }
0x85: {  	_ =	shalt  }
0x86: {  	_ =	shalt  }
0x87: {  	_ =	shalt  }
.Lfunc_end0:
.L_simem_size_0:
called_computation.1_lowered:
.L_overlay_start_0:
0x88: {  	s2 =	sld [smem:$0x3FD9]  }
0x89: {  	s3 =	sld [smem:$0x3FFE];
	_ =	sdelay $0x1  }
0x8a: {  	s1 =	srdreg.scid  }
0x8b: {  	s0 =	sand.u32 $0x1, s1  }
0x8c: {  	s17 =	sshll.u32 s0, $0xA;
	s2 =	sadd.s32 s3, s2  }
0x8d: {  	s2 =	sadd.s32 s2, s17  }
0x8e: {  	[smem:$0x3FC6] =	sst s2  }
0x8f: {  	_ = 	snop  }
0x90: {  	s2 =	sld [smem:$0x3FD0];
	(tm) =	ssettm $0x1  }
0x91: {  	s18 =	sld [smem:$0x3FFB];
	_ =	sdelay $0x3  }
0x92: {  	_ =	strace s18  }
0x93: {  	s3 =	sld [smem:$0x3FFC];
	_ =	sdelay $0x3  }
0x94: {  	_ =	strace s3  }
0x95: {  	s3 =	sld [smem:$0x3FFD];
	_ =	sdelay $0x3  }
0x96: {  	_ =	strace s3  }
0x97: {  	_ =	strace $0x8FFFFFFF  }
0x98: {  	s19 =	sld [smem:$0x3FDB];
	_ =	sdelay $0x1  }
0x99: {  	s4 =	simm.s32 $_scs_section_size  }
0x9a: {  	s5 =	simm.s32 $_size__tile_overlayer_lowered;
	s6 =	simm.s32 $_tile_overlayer_lowered  }
0x9b: {  	s22 =	simm.s32 $0x1BFF;
	s21 =	sshll.u32 s6, $0x1;
	s3 =	sadd.s32 s4, s19  }
0x9c: {  	s7 =	simm.s32 $0x0;
	s20 =	sshll.u32 s5, $0x1;
	s5 =	sadd.s32 s21, s3  }
0x9d: {  	[timem:s7], [sflag:s22] =	dma.local [hbm:s5], s20  }
0x9e: {  	_ =	swait.ge [sflag:s22], s20  }
0x9f: {  	s4 =	ssub.s32 $0x0, s20;
	[sflag:s22] =	ssyncset.done $0x0  }
0xa0: {  	[sflag:s22] =	ssyncadd.s32 s4;
	_ =	sdelay $0x1  }
0xa1: {  	s23 =	simm.s32 $0x1B8B  }
0xa2: {  	_ =	swait.ge [sflag:s23], $0x1  }
0xa3: {  	[sflag:s23] =	ssyncset.done $0x0  }
0xa4: {  	s25 =	simm.s32 $0x1B8E;
	s24 =	sld [smem:$0x3FFE];
	[sflag:s23] =	ssyncadd.s32 $0xFFFFFFFF  }
0xa5: {  	s26 =	simm.s32 $execute0_lowered;
	[smem:$0x3FD2] =	sst s25  }
0xa6: {  	s5 =	sshll.u32 s26, $0x1;
	_ =	strace $0x80000046;
	[dreg:$0x1] =	wrdreg $0xFFFFFFFF  }
0xa7: {  	s28 =	simm.s32 $_size_execute0_lowered;
	s3 =	sadd.s32 s3, s5;
	[dreg:$0x0] =	wrdreg $0x0  }
0xa8: {  	s5 =	sshll.u32 s28, $0x1;
	[dreg:$0x2] =	wrdreg s3  }
0xa9: {  	[dreg:$0x3] =	wrdreg s5  }
0xaa: {  	[dreg:$0x4] =	wrdreg $0xC0  }
0xab: {  	_ =	task [dreg:s7], $0x5FFFF  }
0xac: {  	[dreg:$0x1] =	wrdreg $0xFFFFFFFF  }
0xad: {  	[dreg:$0x0] =	wrdreg $0x60  }
0xae: {  	[dreg:$0x2] =	wrdreg s2  }
0xaf: {  	[dreg:$0x3] =	wrdreg s24  }
0xb0: {  	[dreg:$0x4] =	wrdreg $0x9  }
0xb1: {  	_ =	task.clear_ibuf [dreg:s7], $0x5FFFF;
	_ =	strace $0x90000046  }
0xb2: {  	s29 =	simm.s32 $0x9;
	_ =	strace $0x80000048  }
0xb3: {  	_ =	swait.ge [sflag:s29], $0x1  }
0xb4: {  	[sflag:s29] =	ssyncadd.s32 $0xFFFFFFFF  }
0xb5: {  	_ =	strace $0x90000048  }
0xb6: {  	_ =	sfence  }
0xb7: {  	s30 =	sld [smem:$0x0];
	_ =	sdelay $0x2  }
0xb8: {  	s31 =	sshll.u32 s1, $0xD;
	s1 =	sshrl.u32 s1, $0x2  }
0xb9: {  	s3 =	sand.u32 $0x4000, s31;
	s1 =	sadd.s32 s1, s30  }
0xba: {  	s0 =	sor.u32 s3, s0;
	s1 =	sshll.u32 s1, $0x11  }
0xbb: {  	s0 =	sor.u32 s1, s0  }
0xbc: {  	s0 =	sadd.s32 $0x8F2B, s0  }
0xbd: {  	[sflag:s0] =	ssyncadd.remote.s32 $0x1  }
0xbe: {  	_ =	sfence.sel $0xFFFF  }
0xbf: {  	[dreg:$0x0] =	wrdreg $0xFFFFFFFF;
	(pc) =	sbr.abs _section_cstart, $3  }
0xc0: {  	[dreg:$0x1] =	wrdreg $0xFFFFFFFF  }
0xc1: {  	_ =	task.clear_ibuf [dreg:s7], $0x2FFFF;
	_ =	strace $0x9FFFFFFF  }
0xc2: {  	(tm) =	ssettm $0x7FFFFFFF  }
0xc3: {  	_ =	shalt  }
tec
execute0_lowered:
.L_overlay_start_1:
0x0: {  	(tag) =	ssettag $0x1  }
0x1: {  	s0 =	rddreg [dreg:$0x0]  }
0x2: {  	s1 =	rddreg [dreg:$0x1]  }
0x3: {  	s2 =	srdreg.scid;
	s9 =	stileid.u32;
	s4 =	simm.s32 $0x0  }
0x4: {  	s13 =	simm.s32 $0x6400;
	s14 =	simm.s32 $0xB400;
	s17 =	simm.s32 $0x140  }
0x5: {  	s18 =	simm.s32 $0x15400;
	s19 =	simm.s32 $0x1;
	s20 =	simm.s32 $0x40  }
0x6: {  	s29 =	simm.s32 $0x7;
	s30 =	simm.s32 $0x8;
	s31 =	simm.s32 $0x9  }
0x7: {  	s2 =	sand.u32 $0x1, s2;
	s3 =	sshll.u32 s9, $0x1;
	s22 =	smul.u32 $0xC8000, s9  }
0x8: {  	s5 =	sor.u32 s2, s3;
	s6 =	ssub.s32 $0x2, s2;
	s2 =	smul.u32 $0x64000, s2  }
0x9: {  	[smem:$0x7FF] =	sst s4;
	s4 =	sadd.s32 $0xF42E00, s1;
	s3 =	smul.u32 $0x6400, s5  }
0xa: {  	_ =	strace $0x80000047;
	s7 =	sshrl.u32 s6, $0x1;
	s8 =	smul.u32 $0x64000, s5  }
0xb: {  	s5 =	sadd.s32 $0xA00, s1;
	s1 =	simm.s32 $0x0;
	s21 =	ssub.s32 s6, s7  }
0xc: {  	s11 =	sadd.s32 s2, s22;
	s23 =	sshrl.u32 s3, $0x3;
	s28 =	smax.u32 s21, $0x1  }
0xd: {  	s8 =	sadd.s32 s5, s8;
	s0 =	sadd.s32 s0, s23;
	[dreg:$0x7] =	wrdreg s28  }
0xe: {  	s7 =	simm.s32 $0x10400;
	s24 =	sadd.s32 $0x60400, s8;
	[dreg:$0x3] =	wrdreg s0  }
0xf: {  	s22 =	simm.s32 $0x1A400;
	s25 =	sadd.s32 $0x61800, s8;
	[dreg:$0x4] =	wrdreg s24  }
0x10: {  	s21 =	simm.s32 $0x80;
	s26 =	sadd.s32 $0x62C00, s8;
	[dreg:$0x5] =	wrdreg s25  }
0x11: {  	s23 =	simm.s32 $0x2;
	[dreg:$0x6] =	wrdreg s26;
	s0 =	simm.s32 $0xA  }
.LBB2_1:
0x12: {  	s2 =	simm.s32 $0x0;
	s6 =	rddreg [dreg:$0x3];
	s16 =	simm.s32 $0xB  }
0x13: {  	[tilespmem:s2], [sflag:$0xB] =	stream.linear.gather [hbm4b:s6+s2], $0x6400, $0x38;
	[tilespmem:$0x1F400] =	vst v63  }
0x14: {  	_ =	swait.ge [sflag:s16], $0x6400  }
0x15: {  	[sflag:s16] =	ssyncset.done $0x0  }
0x16: {  	[sflag:s16] =	ssyncadd.s32 $0xFFFF9C00  }
0x17: {  	[tilespmem:s13], [sflag:$0x1] =	stream.indirect.gather [hbm4b:s4+s17], $0x40, s2, s17, $0xb8;
	[tilespmem:$0x1F400] =	vst v63  }
0x18: {  	p0 =	por $0x1, $0x1  }
0x19: {  	[tilespmem:s14], [sflag:$0x2] =	stream.indirect.gather [hbm4b:s4+s17], $0x40, s17, s17, $0xb8;
	[tilespmem:$0x1F400] =	vst v63  }
0x1a: {  	s24 =	simm.s32 $0x280;
	s2 =	simm.s32 @!p0 $0x6  }
0x1b: {  	[tilespmem:s7], [sflag:$0x3] =	stream.indirect.gather [hbm4b:s4+s17], $0x40, s24, s17, $0xb8;
	[tilespmem:$0x1F400] =	vst v63  }
0x1c: {  	s6 =	simm.s32 @!p0 $0x10400;
	_ =	swait.ge @!p0 [sflag:s2], $0x5000  }
0x1d: {  	s8 =	simm.s32 @!p0 $0x3;
	s9 =	simm.s32 @!p0 $0x140;
	[sflag:s2] =	ssyncset.done @!p0 $0x0  }
0x1e: {  	s7 =	simm.s32 @!p0 $0x6400;
	[sflag:s2] =	ssyncadd.s32 @!p0 $0xFFFFB000;
	s2 =	simm.s32 @!p0 $0x0  }
0x1f: {  	[tilespmem:s7], [sflag:$0x1] =	stream.indirect.gather @!p0 [hbm4b:s4+s9], $0x40, s2, s9, $0xb8;
	[tilespmem:$0x1F400] =	vst v63  }
0x20: {  	s15 =	simm.s32 @!p0 $0x80;
	s7 =	sadd.s32 @!p0 $0xFFFFC400, s11;
	_ =	swait.ge @!p0 [sflag:s8], $0x5000  }
0x21: {  	s2 =	simm.s32 @!p0 $0x7;
	s7 =	sand.u32 @!p0 $0x1FFFFC00, s7;
	[sflag:s8] =	ssyncset.done @!p0 $0x0  }
0x22: {  	s7 =	sadd.s32 @!p0 s5, s7;
	[sflag:s8] =	ssyncadd.s32 @!p0 $0xFFFFB000;
	s8 =	simm.s32 @!p0 $0x40  }
0x23: {  	[hbm4b:s7+s8] =	stream.strided.scatter @!p0 [tilespmem:s6], [sflag:$0x8], $0x5000, s15, s8, $0x38;
	[tilespmem:$0x1F400] =	vst v63  }
0x24: {  	_ =	swait.ge @!p0 [sflag:s2], $0x5000  }
0x25: {  	[sflag:s2] =	ssyncset.done @!p0 $0x0  }
0x26: {  	s7 =	simm.s32 @!p0 $0x140;
	[sflag:s2] =	ssyncadd.s32 @!p0 $0xFFFFB000;
	s2 =	simm.s32 @!p0 $0xB400  }
0x27: {  	[tilespmem:s2], [sflag:$0x2] =	stream.indirect.gather @!p0 [hbm4b:s4+s9], $0x40, s7, s9, $0xb8;
	[tilespmem:$0x1F400] =	vst v63  }
0x28: {  	s2 =	simm.s32 @!p0 $0x4  }
0x29: {  	s7 =	sadd.s32 @!p0 $0xFFFFD800, s11;
	_ =	swait.ge @!p0 [sflag:s2], $0x5000  }
0x2a: {  	s7 =	sand.u32 @!p0 $0x1FFFFC00, s7;
	[sflag:s2] =	ssyncset.done @!p0 $0x0  }
0x2b: {  	[sflag:s2] =	ssyncadd.s32 @!p0 $0xFFFFB000;
	s2 =	sadd.s32 @!p0 s5, s7;
	s7 =	simm.s32 @!p0 $0x15400  }
0x2c: {  	[hbm4b:s2+s8] =	stream.strided.scatter @!p0 [tilespmem:s7], [sflag:$0x9], $0x5000, s15, s8, $0x38;
	[tilespmem:$0x1F400] =	vst v63  }
0x2d: {  	s2 =	simm.s32 @!p0 $0x8  }
0x2e: {  	_ =	swait.ge @!p0 [sflag:s2], $0x5000  }
0x2f: {  	[sflag:s2] =	ssyncset.done @!p0 $0x0  }
0x30: {  	[sflag:s2] =	ssyncadd.s32 @!p0 $0xFFFFB000;
	s2 =	simm.s32 @!p0 $0x280  }
0x31: {  	[tilespmem:s6], [sflag:$0x3] =	stream.indirect.gather @!p0 [hbm4b:s4+s9], $0x40, s2, s9, $0xb8;
	[tilespmem:$0x1F400] =	vst v63  }
0x32: {  	s2 =	simm.s32 @!p0 $0x5  }
0x33: {  	s6 =	sadd.s32 @!p0 $0xFFFFEC00, s11;
	_ =	swait.ge @!p0 [sflag:s2], $0x5000  }
0x34: {  	s7 =	simm.s32 @!p0 $0x9;
	s6 =	sand.u32 @!p0 $0x1FFFFC00, s6;
	[sflag:s2] =	ssyncset.done @!p0 $0x0  }
0x35: {  	[sflag:s2] =	ssyncadd.s32 @!p0 $0xFFFFB000;
	s2 =	sadd.s32 @!p0 s5, s6;
	s6 =	simm.s32 @!p0 $0x1A400  }
0x36: {  	[hbm4b:s2+s8] =	stream.strided.scatter @!p0 [tilespmem:s6], [sflag:$0xA], $0x5000, s15, s8, $0x38;
	[tilespmem:$0x1F400] =	vst v63  }
0x37: {  	s2 =	simm.s32 @!p0 $0x0;
	_ =	swait.ge @!p0 [sflag:s7], $0x5000  }
0x38: {  	s2 =	simm.s32 @p0 $0x0;
	[sflag:s7] =	ssyncset.done @!p0 $0x0  }
0x39: {  	s25 =	sadd.s32 $0x3C0, s2;
	[sflag:s7] =	ssyncadd.s32 @!p0 $0xFFFFB000  }
0x3a: {  	[tilespmem:s18], [sflag:$0x4] =	stream.indirect.gather [hbm4b:s4+s17], $0x40, s25, s17, $0xb8;
	[tilespmem:$0x1F400] =	vst v63  }
0x3b: {  	s6 =	simm.s32 $0x140;
	s26 =	sadd.s32 s3, s2;
	_ =	swait.ge [sflag:s19], $0x5000  }
0x3c: {  	s8 =	simm.s32 @!p0 $0xA;
	s7 =	sshll.u32 s26, $0x4;
	[sflag:s19] =	ssyncset.done $0x0  }
0x3d: {  	s6 =	simm.s32 @p0 $0x140;
	s7 =	sadd.s32 s5, s7;
	[sflag:s19] =	ssyncadd.s32 $0xFFFFB000  }
0x3e: {  	[hbm4b:s7+s20] =	stream.strided.scatter [tilespmem:s13], [sflag:$0x6], $0x5000, s21, s20, $0x38;
	[tilespmem:$0x1F400] =	vst v63  }
0x3f: {  	s16 =	simm.s32 $0x780;
	s28 =	sadd.s32 s3, s6;
	_ =	swait.ge @!p0 [sflag:s8], $0x5000  }
0x40: {  	s6 =	simm.s32 $0x3200;
	s9 =	sshll.u32 s28, $0x4;
	[sflag:s8] =	ssyncset.done @!p0 $0x0  }
0x41: {  	s2 =	sadd.s32 $0x500, s2;
	s9 =	sand.u32 $0x1FFFFC00, s9;
	[sflag:s8] =	ssyncadd.s32 @!p0 $0xFFFFB000  }
0x42: {  	[tilespmem:s22], [sflag:$0x5] =	stream.indirect.gather [hbm4b:s4+s17], $0x40, s2, s17, $0xb8;
	[tilespmem:$0x1F400] =	vst v63  }
0x43: {  	s7 =	simm.s32 $0x1900;
	p0 =	por $0x0, $0x0;
	_ =	swait.ge [sflag:s23], $0x5000  }
0x44: {  	s8 =	sadd.s32 s5, s9;
	s2 =	sadd.s32 $0x6400, s11;
	[sflag:s23] =	ssyncset.done $0x0  }
.LBB2_2:
0x45: {  	s10 =	simm.s32 @!p0 $0x6;
	s15 =	smov.u32 s16  }
0x46: {  	[sflag:s23] =	ssyncadd.s32 $0xFFFFB000;
	s12 =	smov.u32 s6;
	s15 =	simm.s32 @p0 $0x140  }
0x47: {  	[hbm4b:s8+s20] =	stream.strided.scatter [tilespmem:s14], [sflag:$0x7], $0x5000, s21, s20, $0x38;
	[tilespmem:$0x1F400] =	vst v63  }
0x48: {  	s9 =	simm.s32 @!p0 $0x10400;
	s8 =	simm.s32 @!p0 $0x7;
	_ =	swait.ge @!p0 [sflag:s10], $0x5000  }
0x49: {  	s24 =	simm.s32 @!p0 $0x6400;
	s25 =	simm.s32 @!p0 $0x3;
	[sflag:s10] =	ssyncset.done @!p0 $0x0  }
0x4a: {  	s7 =	sshra.s32 @!p0 s7, $0x2;
	[sflag:s10] =	ssyncadd.s32 @!p0 $0xFFFFB000;
	s10 =	simm.s32 @!p0 $0x140  }
0x4b: {  	[tilespmem:s24], [sflag:$0x1] =	stream.indirect.gather @!p0 [hbm4b:s4+s10], $0x40, s7, s10, $0xb8;
	[tilespmem:$0x1F400] =	vst v63  }
0x4c: {  	s26 =	sadd.s32 @!p0 $0x140, s7;
	s24 =	sadd.s32 @!p0 $0xFFFFC400, s2;
	_ =	swait.ge @!p0 [sflag:s25], $0x5000  }
0x4d: {  	s28 =	simm.s32 @!p0 $0x80;
	s24 =	sand.u32 @!p0 $0x1FFFFC00, s24;
	[sflag:s25] =	ssyncset.done @!p0 $0x0  }
0x4e: {  	s24 =	sadd.s32 @!p0 s5, s24;
	[sflag:s25] =	ssyncadd.s32 @!p0 $0xFFFFB000;
	s25 =	simm.s32 @!p0 $0x40  }
0x4f: {  	[hbm4b:s24+s25] =	stream.strided.scatter @!p0 [tilespmem:s9], [sflag:$0x8], $0x5000, s28, s25, $0x38;
	[tilespmem:$0x1F400] =	vst v63  }
0x50: {  	s24 =	sadd.s32 @!p0 $0x280, s7;
	s7 =	sadd.s32 s3, s15;
	_ =	swait.ge @!p0 [sflag:s8], $0x5000  }
0x51: {  	s6 =	sadd.s32 $0x1900, s6;
	s7 =	sshll.u32 s7, $0x4;
	[sflag:s8] =	ssyncset.done @!p0 $0x0  }
0x52: {  	s15 =	simm.s32 @!p0 $0x4;
	[sflag:s8] =	ssyncadd.s32 @!p0 $0xFFFFB000;
	s8 =	simm.s32 @!p0 $0xB400  }
0x53: {  	[tilespmem:s8], [sflag:$0x2] =	stream.indirect.gather @!p0 [hbm4b:s4+s10], $0x40, s26, s10, $0xb8;
	[tilespmem:$0x1F400] =	vst v63  }
0x54: {  	s26 =	sadd.s32 @!p0 $0xFFFFD800, s2;
	s8 =	sand.u32 $0x1FFFFC00, s7;
	_ =	swait.ge @!p0 [sflag:s15], $0x5000  }
0x55: {  	s7 =	sand.u32 @!p0 $0x1FFFFC00, s26;
	s26 =	simm.s32 @!p0 $0x8;
	[sflag:s15] =	ssyncset.done @!p0 $0x0  }
0x56: {  	s7 =	sadd.s32 @!p0 s5, s7;
	[sflag:s15] =	ssyncadd.s32 @!p0 $0xFFFFB000;
	s15 =	simm.s32 @!p0 $0x15400  }
0x57: {  	[hbm4b:s7+s25] =	stream.strided.scatter @!p0 [tilespmem:s15], [sflag:$0x9], $0x5000, s28, s25, $0x38;
	[tilespmem:$0x1F400] =	vst v63  }
0x58: {  	p1 =	sne.s32 s6, $0x19000;
	s7 =	smov.u32 s12;
	_ =	swait.ge @!p0 [sflag:s26], $0x5000  }
0x59: {  	[sflag:s26] =	ssyncset.done @!p0 $0x0  }
0x5a: {  	s12 =	simm.s32 @!p0 $0x5;
	[sflag:s26] =	ssyncadd.s32 @!p0 $0xFFFFB000  }
0x5b: {  	[tilespmem:s9], [sflag:$0x3] =	stream.indirect.gather @!p0 [hbm4b:s4+s10], $0x40, s24, s10, $0xb8;
	[tilespmem:$0x1F400] =	vst v63  }
0x5c: {  	s9 =	sadd.s32 @!p0 $0xFFFFEC00, s2;
	_ =	swait.ge @!p0 [sflag:s12], $0x5000  }
0x5d: {  	s10 =	simm.s32 @!p0 $0x9;
	s9 =	sand.u32 @!p0 $0x1FFFFC00, s9;
	[sflag:s12] =	ssyncset.done @!p0 $0x0  }
0x5e: {  	s9 =	sadd.s32 @!p0 s5, s9;
	[sflag:s12] =	ssyncadd.s32 @!p0 $0xFFFFB000;
	s12 =	simm.s32 @!p0 $0x1A400  }
0x5f: {  	[hbm4b:s9+s25] =	stream.strided.scatter @!p0 [tilespmem:s12], [sflag:$0xA], $0x5000, s28, s25, $0x38;
	[tilespmem:$0x1F400] =	vst v63  }
0x60: {  	s9 =	sadd.s32 @!p0 $0xFFFFFEC0, s16;
	_ =	swait.ge @!p0 [sflag:s10], $0x5000  }
0x61: {  	s9 =	simm.s32 @p0 $0x0;
	[sflag:s10] =	ssyncset.done @!p0 $0x0  }
0x62: {  	s12 =	sadd.s32 s3, s9;
	[sflag:s10] =	ssyncadd.s32 @!p0 $0xFFFFB000;
	s10 =	sadd.s32 $0x3C0, s9  }
0x63: {  	[tilespmem:s18], [sflag:$0x4] =	stream.indirect.gather [hbm4b:s4+s17], $0x40, s10, s17, $0xb8;
	[tilespmem:$0x1F400] =	vst v63  }
0x64: {  	s10 =	sshll.u32 s12, $0x4;
	_ =	swait.ge [sflag:s19], $0x5000  }
0x65: {  	[sflag:s19] =	ssyncset.done $0x0  }
0x66: {  	s12 =	simm.s32 @!p0 $0xA;
	s10 =	sadd.s32 s5, s10;
	[sflag:s19] =	ssyncadd.s32 $0xFFFFB000  }
0x67: {  	[hbm4b:s10+s20] =	stream.strided.scatter [tilespmem:s13], [sflag:$0x6], $0x5000, s21, s20, $0x38;
	[tilespmem:$0x1F400] =	vst v63  }
0x68: {  	_ =	swait.ge @!p0 [sflag:s12], $0x5000  }
.Ltmp0:
0x69: {  	[sflag:s12] =	ssyncset.done @!p0 $0x0;
	(pc) =	sbr.rel @p1 .LBB2_2-.Ltmp0, $4  }
0x6a: {  	s9 =	sadd.s32 $0x500, s9;
	[sflag:s12] =	ssyncadd.s32 @!p0 $0xFFFFB000  }
0x6b: {  	[tilespmem:s22], [sflag:$0x5] =	stream.indirect.gather [hbm4b:s4+s17], $0x40, s9, s17, $0xb8;
	[tilespmem:$0x1F400] =	vst v63  }
0x6c: {  	s2 =	sadd.s32 $0x6400, s2;
	s16 =	sadd.s32 $0x640, s16;
	_ =	swait.ge [sflag:s23], $0x5000  }
0x6d: {  	s8 =	sadd.s32 s5, s8;
	p0 =	seq.s32 s7, $0x0;
	[sflag:s23] =	ssyncset.done $0x0  }
0x6e: {  	s6 =	simm.s32 @!p0 $0x6;
	[sflag:s23] =	ssyncadd.s32 $0xFFFFB000  }
0x6f: {  	[hbm4b:s8+s20] =	stream.strided.scatter [tilespmem:s14], [sflag:$0x7], $0x5000, s21, s20, $0x38;
	[tilespmem:$0x1F400] =	vst v63  }
0x70: {  	s9 =	simm.s32 @!p0 $0x6400;
	_ =	swait.ge @!p0 [sflag:s6], $0x5000  }
0x71: {  	s10 =	simm.s32 @!p0 $0x3;
	s12 =	sadd.s32 @!p0 $0xFFFFC400, s2;
	[sflag:s6] =	ssyncset.done @!p0 $0x0  }
0x72: {  	[sflag:s6] =	ssyncadd.s32 @!p0 $0xFFFFB000;
	s6 =	sshra.s32 @!p0 s7, $0x2;
	s7 =	simm.s32 @!p0 $0x140  }
0x73: {  	[tilespmem:s9], [sflag:$0x1] =	stream.indirect.gather @!p0 [hbm4b:s4+s7], $0x40, s6, s7, $0xb8;
	[tilespmem:$0x1F400] =	vst v63  }
0x74: {  	s15 =	simm.s32 @!p0 $0x80;
	s8 =	simm.s32 @!p0 $0x10400;
	_ =	swait.ge @!p0 [sflag:s10], $0x5000  }
0x75: {  	s12 =	sand.u32 @!p0 $0x1FFFFC00, s12;
	s9 =	simm.s32 @!p0 $0x7;
	[sflag:s10] =	ssyncset.done @!p0 $0x0  }
0x76: {  	[sflag:s10] =	ssyncadd.s32 @!p0 $0xFFFFB000;
	s10 =	sadd.s32 @!p0 s5, s12;
	s12 =	simm.s32 @!p0 $0x40  }
0x77: {  	[hbm4b:s10+s12] =	stream.strided.scatter @!p0 [tilespmem:s8], [sflag:$0x8], $0x5000, s15, s12, $0x38;
	[tilespmem:$0x1F400] =	vst v63  }
0x78: {  	_ =	swait.ge @!p0 [sflag:s9], $0x5000  }
0x79: {  	[sflag:s9] =	ssyncset.done @!p0 $0x0  }
0x7a: {  	s10 =	sadd.s32 @!p0 $0x140, s6;
	[sflag:s9] =	ssyncadd.s32 @!p0 $0xFFFFB000;
	s9 =	simm.s32 @!p0 $0xB400  }
0x7b: {  	[tilespmem:s9], [sflag:$0x2] =	stream.indirect.gather @!p0 [hbm4b:s4+s7], $0x40, s10, s7, $0xb8;
	[tilespmem:$0x1F400] =	vst v63  }
0x7c: {  	s9 =	simm.s32 @!p0 $0x4  }
0x7d: {  	s10 =	sadd.s32 @!p0 $0xFFFFD800, s2;
	_ =	swait.ge @!p0 [sflag:s9], $0x5000  }
0x7e: {  	s10 =	sand.u32 @!p0 $0x1FFFFC00, s10;
	[sflag:s9] =	ssyncset.done @!p0 $0x0  }
0x7f: {  	[sflag:s9] =	ssyncadd.s32 @!p0 $0xFFFFB000;
	s9 =	sadd.s32 @!p0 s5, s10;
	s10 =	simm.s32 @!p0 $0x15400  }
0x80: {  	[hbm4b:s9+s12] =	stream.strided.scatter @!p0 [tilespmem:s10], [sflag:$0x9], $0x5000, s15, s12, $0x38;
	[tilespmem:$0x1F400] =	vst v63  }
0x81: {  	s9 =	simm.s32 @!p0 $0x8  }
0x82: {  	_ =	swait.ge @!p0 [sflag:s9], $0x5000  }
0x83: {  	[sflag:s9] =	ssyncset.done @!p0 $0x0  }
0x84: {  	s6 =	sadd.s32 @!p0 $0x280, s6;
	[sflag:s9] =	ssyncadd.s32 @!p0 $0xFFFFB000  }
0x85: {  	[tilespmem:s8], [sflag:$0x3] =	stream.indirect.gather @!p0 [hbm4b:s4+s7], $0x40, s6, s7, $0xb8;
	[tilespmem:$0x1F400] =	vst v63  }
0x86: {  	s6 =	simm.s32 @!p0 $0x5  }
0x87: {  	s2 =	sadd.s32 @!p0 $0xFFFFEC00, s2;
	_ =	swait.ge @!p0 [sflag:s6], $0x5000  }
0x88: {  	s2 =	sand.u32 @!p0 $0x1FFFFC00, s2;
	[sflag:s6] =	ssyncset.done @!p0 $0x0  }
0x89: {  	s2 =	sadd.s32 @!p0 s5, s2;
	[sflag:s6] =	ssyncadd.s32 @!p0 $0xFFFFB000;
	s6 =	simm.s32 @!p0 $0x1A400  }
0x8a: {  	[hbm4b:s2+s12] =	stream.strided.scatter @!p0 [tilespmem:s6], [sflag:$0xA], $0x5000, s15, s12, $0x38;
	[tilespmem:$0x1F400] =	vst v63  }
0x8b: {  	s2 =	simm.s32 @!p0 $0x9  }
0x8c: {  	s6 =	sadd.s32 @!p0 $0xFFFFFEC0, s16;
	_ =	swait.ge @!p0 [sflag:s2], $0x5000  }
0x8d: {  	s6 =	simm.s32 @p0 $0x0;
	[sflag:s2] =	ssyncset.done @!p0 $0x0  }
0x8e: {  	s28 =	sadd.s32 $0x3C0, s6;
	[sflag:s2] =	ssyncadd.s32 @!p0 $0xFFFFB000  }
0x8f: {  	[tilespmem:s18], [sflag:$0x4] =	stream.indirect.gather [hbm4b:s4+s17], $0x40, s28, s17, $0xb8;
	[tilespmem:$0x1F400] =	vst v63  }
0x90: {  	s7 =	sadd.s32 s3, s6;
	_ =	swait.ge [sflag:s19], $0x5000  }
0x91: {  	s2 =	sshll.u32 s7, $0x4;
	[sflag:s19] =	ssyncset.done $0x0  }
0x92: {  	s2 =	sadd.s32 s5, s2;
	[sflag:s19] =	ssyncadd.s32 $0xFFFFB000  }
0x93: {  	[hbm4b:s2+s20] =	stream.strided.scatter [tilespmem:s13], [sflag:$0x6], $0x5000, s21, s20, $0x38;
	[tilespmem:$0x1F400] =	vst v63  }
0x94: {  	s2 =	simm.s32 @!p0 $0xA  }
0x95: {  	_ =	swait.ge @!p0 [sflag:s2], $0x5000  }
0x96: {  	s16 =	simm.s32 @p0 $0x140;
	[sflag:s2] =	ssyncset.done @!p0 $0x0  }
0x97: {  	s9 =	sadd.s32 s3, s16;
	s8 =	sadd.s32 $0x500, s6;
	[sflag:s2] =	ssyncadd.s32 @!p0 $0xFFFFB000  }
0x98: {  	[tilespmem:s22], [sflag:$0x5] =	stream.indirect.gather [hbm4b:s4+s17], $0x40, s8, s17, $0xb8;
	[tilespmem:$0x1F400] =	vst v63  }
0x99: {  	s2 =	sshll.u32 s9, $0x4;
	_ =	swait.ge [sflag:s23], $0x5000  }
0x9a: {  	s2 =	sand.u32 $0x1FFFFC00, s2;
	[sflag:s23] =	ssyncset.done $0x0  }
0x9b: {  	s10 =	simm.s32 $0x3;
	s2 =	sadd.s32 s5, s2;
	[sflag:s23] =	ssyncadd.s32 $0xFFFFB000  }
0x9c: {  	[hbm4b:s2+s20] =	stream.strided.scatter [tilespmem:s14], [sflag:$0x7], $0x5000, s21, s20, $0x38;
	[tilespmem:$0x1F400] =	vst v63  }
0x9d: {  	_ =	swait.ge [sflag:s10], $0x5000  }
0x9e: {  	s15 =	simm.s32 $0x4;
	[sflag:s10] =	ssyncset.done $0x0  }
0x9f: {  	s7 =	simm.s32 $0x10400;
	s12 =	rddreg [dreg:$0x4];
	[sflag:s10] =	ssyncadd.s32 $0xFFFFB000  }
0xa0: {  	[hbm4b:s12+s20] =	stream.strided.scatter [tilespmem:s7], [sflag:$0x8], $0x5000, s21, s20, $0x38;
	[tilespmem:$0x1F400] =	vst v63  }
0xa1: {  	_ =	swait.ge [sflag:s15], $0x5000  }
0xa2: {  	[sflag:s15] =	ssyncset.done $0x0  }
0xa3: {  	s24 =	simm.s32 $0x5;
	s16 =	rddreg [dreg:$0x5];
	[sflag:s15] =	ssyncadd.s32 $0xFFFFB000  }
0xa4: {  	[hbm4b:s16+s20] =	stream.strided.scatter [tilespmem:s18], [sflag:$0x9], $0x5000, s21, s20, $0x38;
	[tilespmem:$0x1F400] =	vst v63  }
0xa5: {  	_ =	swait.ge [sflag:s24], $0x5000  }
0xa6: {  	[sflag:s24] =	ssyncset.done $0x0  }
0xa7: {  	s26 =	simm.s32 $0x6;
	s25 =	rddreg [dreg:$0x6];
	[sflag:s24] =	ssyncadd.s32 $0xFFFFB000  }
0xa8: {  	[hbm4b:s25+s20] =	stream.strided.scatter [tilespmem:s22], [sflag:$0xA], $0x5000, s21, s20, $0x38;
	[tilespmem:$0x1F400] =	vst v63  }
0xa9: {  	_ =	swait.ge [sflag:s26], $0x5000  }
0xaa: {  	[sflag:s26] =	ssyncset.done $0x0  }
0xab: {  	[sflag:s26] =	ssyncadd.s32 $0xFFFFB000  }
0xac: {  	_ =	swait.ge [sflag:s29], $0x5000  }
0xad: {  	[sflag:s29] =	ssyncset.done $0x0  }
0xae: {  	[sflag:s29] =	ssyncadd.s32 $0xFFFFB000  }
0xaf: {  	_ =	swait.ge [sflag:s30], $0x5000  }
0xb0: {  	[sflag:s30] =	ssyncset.done $0x0  }
0xb1: {  	[sflag:s30] =	ssyncadd.s32 $0xFFFFB000  }
0xb2: {  	_ =	swait.ge [sflag:s31], $0x5000  }
0xb3: {  	[sflag:s31] =	ssyncset.done $0x0  }
0xb4: {  	[sflag:s31] =	ssyncadd.s32 $0xFFFFB000  }
0xb5: {  	_ =	swait.ge [sflag:s0], $0x5000  }
0xb6: {  	s1 =	sadd.s32 $0x1, s1;
	s28 =	rddreg [dreg:$0x7]  }
0xb7: {  	p0 =	sne.s32 s1, s28  }
.Ltmp1:
0xb8: {  	_ = 	snop;
	(pc) =	sbr.rel @p0 .LBB2_1-.Ltmp1, $3  }
0xb9: {  	_ =	sdelay $0x1  }
0xba: {  	[sflag:s0] =	ssyncset.done $0x0  }
0xbb: {  	[sflag:s0] =	ssyncadd.s32 $0xFFFFB000  }
0xbc: {  	_ =	sfence.sel $0x180000  }
0xbd: {  	[bflag:$0x0] =	sbarrier.arrive $0xFFFF  }
0xbe: {  	_ =	strace $0x90000047  }
0xbf: {  	s0 =	stileid.u32;
	[bflag:$0x2] =	sbarrier.arrive $0xFFFF  }
0xc0: {  	p0 =	sne.s32 s0, $0x0;
	s0 =	rddreg [dreg:$0x2]  }
0xc1: {  	s0 =	sadd.s32 @!p0 $0x100000, s0  }
0xc2: {  	[sflag:s0] =	ssyncadd.tile.s32 @!p0 $0x1;
	_ =	shalt  }
.Lfunc_end2:
_tile_overlayer_lowered:
.L_overlay_start_2:
0xc3: {  	(tag) =	ssettag $0x2  }
0xc4: {  	s0 =	rddreg [dreg:$0x0];
	s2 =	stileid.u32  }
0xc5: {  	s1 =	rddreg [dreg:$0x1];
	p0 =	sne.s32 s2, $0x0  }
0xc6: {  	s3 =	rddreg [dreg:$0x2];
	[bflag:$0x3] =	sbarrier.arrive $0xFFFF;
	s2 =	simm.s32 @!p0 $0x1C0B  }
0xc7: {  	[timem:s3], [sflag:s2] =	dma.local @!p0 [hbm:s0], s1  }
0xc8: {  	s0 =	simm.s32 @!p0 $0xB  }
0xc9: {  	_ =	swait.ge @!p0 [sflag:s0], s1  }
0xca: {  	s1 =	ssub.s32 @!p0 $0x0, s1;
	[sflag:s0] =	ssyncset.done @!p0 $0x0  }
0xcb: {  	[sflag:s0] =	ssyncadd.s32 @!p0 s1  }
0xcc: {  	[bflag:$0x3] =	sbarrier.arrive $0xFFFF  }
0xcd: {  	_ =	shalt  }

// kernel: sparse-core-data-format-call.cloned.1.call-start
scs
called_computation_lowered:
.L_overlay_start_0:
0x0: {  	s2 =	sld [smem:$0x3FD9]  }
0x1: {  	s3 =	sld [smem:$0x3FFE];
	_ =	sdelay $0x1  }
0x2: {  	s1 =	srdreg.scid  }
0x3: {  	s0 =	sand.u32 $0x1, s1  }
0x4: {  	s18 =	sshll.u32 s0, $0xA;
	s2 =	sadd.s32 s3, s2  }
0x5: {  	s2 =	sadd.s32 s2, s18  }
0x6: {  	[smem:$0x3FC6] =	sst s2  }
0x7: {  	_ = 	snop  }
0x8: {  	s2 =	sld [smem:$0x3FD0];
	(tm) =	ssettm $0x1  }
0x9: {  	s19 =	sld [smem:$0x3FFB];
	_ =	sdelay $0x3  }
0xa: {  	_ =	strace s19  }
0xb: {  	s3 =	sld [smem:$0x3FFC];
	_ =	sdelay $0x3  }
0xc: {  	_ =	strace s3  }
0xd: {  	s3 =	sld [smem:$0x3FFD];
	_ =	sdelay $0x3  }
0xe: {  	_ =	strace s3  }
0xf: {  	_ =	strace $0x8FFFFFFF  }
0x10: {  	s20 =	sld [smem:$0x3FDB];
	_ =	sdelay $0x1  }
0x11: {  	s4 =	simm.s32 $_scs_section_size  }
0x12: {  	s5 =	simm.s32 $_size__tile_overlayer_lowered;
	s6 =	simm.s32 $_tile_overlayer_lowered  }
0x13: {  	s23 =	simm.s32 $0x1BFF;
	s22 =	sshll.u32 s6, $0x1;
	s3 =	sadd.s32 s4, s20  }
0x14: {  	s7 =	simm.s32 $0x0;
	s21 =	sshll.u32 s5, $0x1;
	s5 =	sadd.s32 s22, s3  }
0x15: {  	[timem:s7], [sflag:s23] =	dma.local [hbm:s5], s21  }
0x16: {  	_ =	swait.ge [sflag:s23], s21  }
0x17: {  	s4 =	ssub.s32 $0x0, s21;
	[sflag:s23] =	ssyncset.done $0x0  }
0x18: {  	[sflag:s23] =	ssyncadd.s32 s4;
	_ =	sdelay $0x1  }
0x19: {  	s24 =	simm.s32 $0x1B8B  }
0x1a: {  	_ =	swait.ge [sflag:s24], $0x1  }
0x1b: {  	[sflag:s24] =	ssyncset.done $0x0  }
0x1c: {  	s26 =	simm.s32 $0x1B8E;
	s25 =	sld [smem:$0x3FFE];
	[sflag:s24] =	ssyncadd.s32 $0xFFFFFFFF  }
0x1d: {  	s27 =	simm.s32 $execute0_lowered;
	[smem:$0x3FD2] =	sst s26  }
0x1e: {  	s5 =	sshll.u32 s27, $0x1;
	_ =	strace $0x80000049;
	[dreg:$0x1] =	wrdreg $0xFFFFFFFF  }
0x1f: {  	s28 =	simm.s32 $_size_execute0_lowered;
	s3 =	sadd.s32 s3, s5;
	[dreg:$0x0] =	wrdreg $0x0  }
0x20: {  	s5 =	sshll.u32 s28, $0x1;
	[dreg:$0x2] =	wrdreg s3  }
0x21: {  	[dreg:$0x3] =	wrdreg s5  }
0x22: {  	[dreg:$0x4] =	wrdreg $0xC0  }
0x23: {  	_ =	task [dreg:s7], $0x5FFFF  }
0x24: {  	[dreg:$0x1] =	wrdreg $0xFFFFFFFF  }
0x25: {  	[dreg:$0x0] =	wrdreg $0x60  }
0x26: {  	[dreg:$0x2] =	wrdreg s25  }
0x27: {  	[dreg:$0x3] =	wrdreg s2  }
0x28: {  	[dreg:$0x4] =	wrdreg $0x9  }
0x29: {  	_ =	task.clear_ibuf [dreg:s7], $0x5FFFF;
	_ =	strace $0x90000049  }
0x2a: {  	s29 =	simm.s32 $0x9;
	_ =	strace $0x8000004B  }
0x2b: {  	_ =	swait.ge [sflag:s29], $0x1  }
0x2c: {  	[sflag:s29] =	ssyncadd.s32 $0xFFFFFFFF  }
0x2d: {  	_ =	strace $0x9000004B  }
0x2e: {  	_ =	sfence  }
0x2f: {  	s30 =	sld [smem:$0x0];
	_ =	sdelay $0x2  }
0x30: {  	s31 =	sshll.u32 s1, $0xD;
	s1 =	sshrl.u32 s1, $0x2  }
0x31: {  	s3 =	sand.u32 $0x4000, s31;
	s1 =	sadd.s32 s1, s30  }
0x32: {  	s0 =	sor.u32 s3, s0;
	s1 =	sshll.u32 s1, $0x11  }
0x33: {  	s0 =	sor.u32 s1, s0  }
0x34: {  	s0 =	sadd.s32 $0x8F2B, s0  }
0x35: {  	[sflag:s0] =	ssyncadd.remote.s32 $0x1  }
0x36: {  	_ =	sfence.sel $0xFFFF  }
0x37: {  	[dreg:$0x0] =	wrdreg $0xFFFFFFFF;
	(pc) =	sbr.abs _section_cstart, $3  }
0x38: {  	[dreg:$0x1] =	wrdreg $0xFFFFFFFF  }
0x39: {  	_ =	task.clear_ibuf [dreg:s7], $0x2FFFF;
	_ =	strace $0x9FFFFFFF  }
0x3a: {  	(tm) =	ssettm $0x7FFFFFFF  }
0x3b: {  	_ =	shalt  }
tec
execute0_lowered:
.L_overlay_start_1:
0x0: {  	(tag) =	ssettag $0x1  }
0x1: {  	s0 =	srdreg.scid  }
0x2: {  	s1 =	sshll.u32 s0, $0x4  }
0x3: {  	s0 =	stileid.u32;
	s1 =	sand.u32 $0x10, s1  }
0x4: {  	s1 =	sor.u32 s0, s1  }
0x5: {  	s6 =	rddreg [dreg:$0x0];
	s4 =	simm.s32 $0x1;
	s2 =	sshll.u32 s1, $0x7  }
0x6: {  	s7 =	simm.s32 $0x2;
	s12 =	simm.s32 $0x0;
	s1 =	ssub.s32 $0x1000, s2  }
0x7: {  	s8 =	simm.s32 $0x8000;
	s13 =	simm.s32 $0x0;
	s3 =	sand.u32 $0xF80, s1  }
0x8: {  	s9 =	simm.s32 $0x0;
	s5 =	sshrl.u32 s1, $0xC;
	p0 =	sne.s32 s3, $0x0  }
.Ltmp0:
0x9: {  	s1 =	rddreg [dreg:$0x2];
	s4 =	simm.s32 @!p0 $0x0;
	(pc) =	sbr.rel .LBB1_1-.Ltmp0, $4  }
0xa: {  	s11 =	simm.s32 $0x0;
	s3 =	rddreg [dreg:$0x1];
	s5 =	sadd.s32 s4, s5  }
0xb: {  	_ =	strace $0x8000004A;
	s4 =	simm.s32 $0x1;
	s5 =	smul.u32 $0xC8, s5  }
0xc: {  	s6 =	sadd.s32 $0xA00, s6;
	s10 =	smov.u32 s2;
	[sflag:s4] =	ssyncpa.u1 $0x0  }
0xd: {  	p0 =	por $0x0, $0x0;
	[sflag:s7] =	ssyncpa.u1 $0x0;
	s7 =	sor.u32 $0x1, s5  }
.LBB1_4:
0xe: {  	s16 =	sshll.u32 s13, $0x3;
	s17 =	sand.u32 $0x78, s13  }
0xf: {  	s30 =	sand.u32 $0x7E00, s13;
	s12 =	sshll.u32 s12, $0xF;
	s16 =	sand.u32 $0xC00, s16  }
0x10: {  	[tilespmem:s15+$0x810 ss:$0x81] =	vst.msk $0xffff, v2;
	s31 =	sand.u32 $0x7, s13;
	s16 =	sor.u32 s17, s16;
	s17 =	sadd.s32 s3, s30  }
0x11: {  	[tilespmem:s15+$0x1020 ss:$0x81] =	vst.msk $0xffff, v0;
	s13 =	sshll.u32 s31, $0x12;
	s12 =	sadd.s32 s12, s17;
	s16 =	sshrl.u32 s16, $0x3  }
0x12: {  	[tilespmem:s15+$0x0 ss:$0x81] =	vst.msk $0xffff, v1;
	s13 =	sor.u32 $0x400, s13;
	s12 =	sadd.s32 s16, s12  }
0x13: {  	[hbm4b:s12+s13] =	stream.strided.scatter [tilespmem:s14], [sflag:$0x2], $0x2000, s8, s13, $0x20;
	[tilespmem:$0x8080] =	vst v63  }
.LBB1_5:
0x14: {  	s14 =	sadd.s32 $0x1, s9  }
0x15: {  	s12 =	sadd.s32 $0x1000, s10;
	s16 =	smov.u32 s10;
	p2 =	sgt.s32 s14, $0xC7  }
0x16: {  	s16 =	smov.u32 @p2 s12  }
0x17: {  	s14 =	simm.s32 @p2 $0x0;
	p2 =	sgt.s32 s16, $0xFFF  }
0x18: {  	s16 =	smov.u32 @p2 s2;
	p2 =	sne.s32 s11, s7  }
.Ltmp1:
0x19: {  	p1 =	slt.u32 s11, $0x2;
	(pc) =	sbr.rel @!p2 .LBB1_6-.Ltmp1, $4  }
0x1a: {  	s15 =	simm.s32 @!p1 $0x2  }
0x1b: {  	s13 =	smov.u32 s10;
	p0 =	por !p0, !p0;
	_ =	swait.ge @!p1 [sflag:s15], $0x2000  }
0x1c: {  	s12 =	smov.u32 s9;
	[sflag:s15] =	ssyncset.done @!p1 $0x0;
	s9 =	smov.u32 s14  }
0x1d: {  	s11 =	sadd.s32 $0x1, s11;
	[sflag:s15] =	ssyncadd.s32 @!p1 $0xFFFFE000;
	s10 =	smov.u32 s16  }
.LBB1_1:
0x1e: {  	p1 =	sge.u32 s11, s5  }
0x1f: {  	s14 =	sand.u32 @!p1 $0x1FFFFFF, s9  }
0x20: {  	s15 =	smulhi.u32 @!p1 $0x147AE15, s14;
	_ =	sdelay $0x1  }
0x21: {  	s15 =	smul.u32 @!p1 $0xC8, s15  }
0x22: {  	s16 =	sxor.u32 @!p1 $0xFFFFFFFF, s11;
	s17 =	smul.u32 @!p1 $0xC80, s10  }
0x23: {  	s31 =	sadd.s32 $0xFFFFFFFF, s11;
	s16 =	sshll.u32 @!p1 s16, $0xD;
	s14 =	ssub.s32 @!p1 s14, s15  }
0x24: {  	s15 =	sand.u32 @!p1 $0x2000, s16;
	s16 =	sadd.s32 @!p1 s6, s17;
	s14 =	sshll.u32 @!p1 s14, $0x4  }
0x25: {  	s17 =	simm.s32 @!p1 $0x6400;
	s14 =	sadd.s32 @!p1 s14, s16;
	s16 =	simm.s32 @!p1 $0x40  }
0x26: {  	[tilespmem:s15], [sflag:$0x1] =	stream.strided.gather @!p1 [hbm4b:s14+s16], $0x2000, s17, s16, $0x38;
	[tilespmem:$0x8080] =	vst v63  }
0x27: {  	p1 =	sge.u32 s31, s5  }
.Ltmp2:
0x28: {  	_ = 	snop;
	(pc) =	sbr.rel @p1 .LBB1_5-.Ltmp2, $1  }
0x29: {  	_ =	sdelay $0x3  }
0x2a: {  	s14 =	simm.s32 $0x1  }
0x2b: {  	_ =	swait.ge [sflag:s4], $0x2000;
	s14 =	simm.s32 @!p0 $0x0  }
0x2c: {  	[sflag:s4] =	ssyncset.done $0x0;
	s15 =	sshll.u32 s14, $0xD  }
0x2d: {  	[sflag:s4] =	ssyncadd.s32 $0xFFFFE000;
	s18 =	sor.u32 $0x20, s15  }
0x2e: {  	s14 =	smul.u32 $0x8100, s14;
	v3 =	vld [tilespmem:s18+$0x10]  }
0x2f: {  	s30 =	sand.u32 $0x1, s11;
	v2 =	vld [tilespmem:s18+$0xFFFFFFF0]  }
0x30: {  	s15 =	smul.u32 $0x8100, s30;
	s14 =	sshrl.u32 s14, $0x2;
	v0 =	vld [tilespmem:s18+$0x0]  }
0x31: {  	v1 =	vld [tilespmem:s18+$0xFFFFFFE0];
	s16 =	sor.u32 $0x4000, s14  }
0x32: {  	s31 =	sshrl.u32 s15, $0x2;
	s15 =	sadd.s32 $0x0, s16  }
0x33: {  	s17 =	simm.s32 $0x4;
	s18 =	sadd.s32 $0x40, s18;
	s14 =	sor.u32 $0x4000, s31;
	[tilespmem:s15+$0x1830 ss:$0x81] =	vst.msk $0xffff, v3  }
.LBB1_3:
0x34: {  	v3 =	vld [tilespmem:s18+$0x10];
	p1 =	sne.s32 s17, $0x1FC;
	[tilespmem:s15+$0x810 ss:$0x81] =	vst.msk $0xffff, v2;
	s19 =	smov.u32 s17;
	s17 =	sadd.s32 $0x4, s17  }
.Ltmp3:
0x35: {  	v2 =	vld [tilespmem:s18+$0xFFFFFFF0];
	[tilespmem:s15+$0x1020 ss:$0x81] =	vst.msk $0xffff, v0;
	(pc) =	sbr.rel @p1 .LBB1_3-.Ltmp3, $4  }
0x36: {  	v0 =	vld [tilespmem:s18+$0x0];
	[tilespmem:s15+$0x0 ss:$0x81] =	vst.msk $0xffff, v1  }
0x37: {  	s15 =	sshra.s32 s19, $0x2;
	v1 =	vld [tilespmem:s18+$0xFFFFFFE0]  }
0x38: {  	s15 =	sadd.s32 s15, s16  }
0x39: {  	s18 =	sadd.s32 $0x40, s18;
	[tilespmem:s15+$0x1830 ss:$0x81] =	vst.msk $0xffff, v3  }
.Ltmp4:
0x3a: {  	_ = 	snop;
	(pc) =	sbr.rel .LBB1_4-.Ltmp4, $1  }
0x3b: {  	_ =	sdelay $0x3  }
.LBB1_6:
0x3c: {  	_ =	sfence.sel $0x180000  }
0x3d: {  	s2 =	simm.s32 $0x1;
	[bflag:$0x0] =	sbarrier.arrive $0xFFFF  }
0x3e: {  	s31 =	simm.s32 $0x2;
	[sflag:s2] =	ssyncpa.u1 $0x1  }
0x3f: {  	[sflag:s31] =	ssyncpa.u1 $0x1  }
0x40: {  	p0 =	sne.s32 s0, $0x0;
	_ =	strace $0x9000004A  }
0x41: {  	s0 =	sadd.s32 @!p0 $0x100000, s1;
	[bflag:$0x2] =	sbarrier.arrive $0xFFFF  }
0x42: {  	[sflag:s0] =	ssyncadd.tile.s32 @!p0 $0x1;
	_ =	shalt  }
.Lfunc_end1:
_tile_overlayer_lowered:
.L_overlay_start_2:
0x43: {  	(tag) =	ssettag $0x2  }
0x44: {  	s0 =	rddreg [dreg:$0x0];
	s2 =	stileid.u32  }
0x45: {  	s1 =	rddreg [dreg:$0x1];
	p0 =	sne.s32 s2, $0x0  }
0x46: {  	s3 =	rddreg [dreg:$0x2];
	[bflag:$0x3] =	sbarrier.arrive $0xFFFF;
	s2 =	simm.s32 @!p0 $0x1C01  }
0x47: {  	[timem:s3], [sflag:s2] =	dma.local @!p0 [hbm:s0], s1  }
0x48: {  	s0 =	simm.s32 @!p0 $0x1  }
0x49: {  	_ =	swait.ge @!p0 [sflag:s0], s1  }
0x4a: {  	s1 =	ssub.s32 @!p0 $0x0, s1;
	[sflag:s0] =	ssyncset.done @!p0 $0x0  }
0x4b: {  	[sflag:s0] =	ssyncadd.s32 @!p0 s1  }
0x4c: {  	[bflag:$0x3] =	sbarrier.arrive $0xFFFF  }
0x4d: {  	_ =	shalt  }

</sc_bundles>
